<compile_context>
chip_gen: v7x
topology: tpu7x:2x2x1
jax: 0.10.2.dev20260603
libtpu: 0.0.44.dev20260713+nightly
codegen_flags: <defaults>
</compile_context>

<pallas_src>
import functools

import jax
import jax.numpy as jnp
from jax import lax
from jax.experimental import pallas as pl
from jax.experimental.pallas import tpu as pltpu
from jax.experimental.pallas import tpu_sc as plsc

SEQ = 50
D = 32
VOCAB = 1000000
BATCH = 16384
NCLS = 13
TOTAL = BATCH * SEQ

_NC, _NS = 2, 16
NW = _NC * _NS
PER_W = TOTAL // NW
CHUNK = 3200
N_CHUNKS = PER_W // CHUNK

VC = 1000
NCH = VOCAB // VC


def _detile(tt):
    mesh = plsc.VectorSubcoreMesh(core_axis_name="c", subcore_axis_name="s")

    @functools.partial(
        pl.kernel,
        mesh=mesh,
        out_type=jax.ShapeDtypeStruct((VOCAB * D,), jnp.float32),
        scratch_types=[
            pltpu.VMEM((D * VC,), jnp.float32),
            pltpu.VMEM((VC * D,), jnp.float32),
            pltpu.SemaphoreType.DMA,
        ],
        compiler_params=pltpu.CompilerParams(
            use_tc_tiling_on_sc=False, needs_layout_passes=False
        ),
    )
    def k(t_hbm, out_hbm, in_v, out_v, sem):
        wid = lax.axis_index("s") * _NC + lax.axis_index("c")
        lane = lax.iota(jnp.int32, 16)
        cvec0 = lane * VC
        cvec1 = cvec0 + 16 * VC

        def chunk(kk, carry):
            t = wid + kk * NW

            @pl.when(t < NCH)
            def _():
                v0 = pl.multiple_of(t * VC, VC)
                copies = [
                    pltpu.async_copy(
                        t_hbm.at[d, pl.ds(v0, VC)],
                        in_v.at[pl.ds(d * VC, VC)],
                        sem,
                    )
                    for d in range(D)
                ]
                for c in copies:
                    c.wait()

                def row(j, carry2):
                    g0 = plsc.load_gather(in_v, [cvec0 + j])
                    g1 = plsc.load_gather(in_v, [cvec1 + j])
                    off = pl.multiple_of(j * D, D)
                    out_v[pl.ds(off, 16)] = g0
                    out_v[pl.ds(off + 16, 16)] = g1
                    return carry2

                lax.fori_loop(0, VC, row, 0)
                pltpu.sync_copy(out_v, out_hbm.at[pl.ds(v0 * D, VC * D)])

            return carry

        lax.fori_loop(0, (NCH + NW - 1) // NW, chunk, 0)

    return k(tt)


def _gather(xf, table):
    mesh = plsc.VectorSubcoreMesh(core_axis_name="c", subcore_axis_name="s")

    @functools.partial(
        pl.kernel,
        mesh=mesh,
        out_type=jax.ShapeDtypeStruct((TOTAL, D), jnp.float32),
        scratch_types=[
            pltpu.VMEM((CHUNK,), jnp.int32),
            pltpu.VMEM((CHUNK, D), jnp.float32),
            pltpu.SemaphoreType.DMA,
        ],
        compiler_params=pltpu.CompilerParams(use_tc_tiling_on_sc=False),
    )
    def k(x_hbm, table_hbm, out_hbm, idx_v, rows_v, sem):
        wid = lax.axis_index("s") * _NC + lax.axis_index("c")
        base = wid * PER_W

        def body(i, carry):
            off = pl.multiple_of(base + i * CHUNK, CHUNK)
            pltpu.sync_copy(x_hbm.at[pl.ds(off, CHUNK)], idx_v)
            pltpu.async_copy(table_hbm.at[idx_v], rows_v, sem).wait()
            pltpu.sync_copy(rows_v, out_hbm.at[pl.ds(off, CHUNK)])
            return carry

        lax.fori_loop(0, N_CHUNKS, body, 0)

    return k(xf, table)


def _linear(z5, wbig):

    def body(z_ref, w_ref, o_ref):
        l = pl.program_id(0)
        p = jnp.dot(z_ref[0], w_ref[0], preferred_element_type=jnp.float32)

        @pl.when(l == 0)
        def _():
            o_ref[...] = p

        @pl.when(l > 0)
        def _():
            o_ref[...] += p

    return pl.pallas_call(
        body,
        grid=(SEQ,),
        in_specs=[
            pl.BlockSpec((1, BATCH // 4, 128), lambda l: (l, 0, 0)),
            pl.BlockSpec((1, 128, 4 * NCLS), lambda l: (l, 0, 0)),
        ],
        out_specs=pl.BlockSpec((BATCH // 4, 4 * NCLS), lambda l: (0, 0)),
        out_shape=jax.ShapeDtypeStruct((BATCH // 4, 4 * NCLS), jnp.float32),
    )(z5, wbig)


def kernel(x, table, W, b):
    xf = x.T.reshape(-1).astype(jnp.int32)
    tbl = _detile(table.T).reshape(VOCAB, D)
    rows = _gather(xf, tbl)
    z5 = rows.reshape(SEQ, BATCH // 4, 128)
    wr = W.reshape(NCLS, SEQ, D).transpose(1, 2, 0)
    wbig = jnp.einsum("ldc,gh->lgdhc", wr, jnp.eye(4, dtype=W.dtype))
    wbig = wbig.reshape(SEQ, 128, 4 * NCLS)
    acc = _linear(z5, wbig)
    out = acc.reshape(BATCH // 4, 4, NCLS).reshape(BATCH, NCLS)
    return out + b[None, :]

# --- scband reference (transcript-rebuilt; emitter-appended) ---
"""Pipeline reference for scband-log-reg-56075093016692 (READ-ONLY COPY).

The authoritative reference and input builder live on the scoring server;
editing this copy changes nothing except your own understanding.
"""

import jax, jax.numpy as jnp
import numpy as np

SEQ_LEN = 50
EMBED_DIM = 32
VOCAB = 1000000
N_CLASSES = 13

def setup_inputs(seed: int = 0) -> dict:
    key = jax.random.key(seed)
    k1, k2, k3, k4 = jax.random.split(key, 4)
    x = jax.random.randint(k1, (16384, SEQ_LEN), 0, VOCAB, dtype=jnp.int64)
    # pretrained embedding table (idx2vec)
    table = jax.random.normal(k2, (VOCAB, EMBED_DIM), dtype=jnp.float32)
    # linear layer params: in = seq_len * embed_dim, out = 13
    fan_in = SEQ_LEN * EMBED_DIM
    bound = 1.0 / np.sqrt(fan_in)
    W = jax.random.uniform(k3, (N_CLASSES, fan_in), minval=-bound, maxval=bound, dtype=jnp.float32)
    b = jax.random.uniform(k4, (N_CLASSES,), minval=-bound, maxval=bound, dtype=jnp.float32)
    return {"x": x, "table": table, "W": W, "b": b}

def reference(x, table, W, b):
    # h = self.e(x)
    h = jnp.take(table, x, axis=0)  # [B, L, D]
    B = h.shape[0]
    h_len = h.shape[1] * h.shape[2]
    # z = zeros((B, seq_len*embed_dim)); z[:, :h_len] = h.view(-1, h_len)
    z = jnp.zeros((B, SEQ_LEN * EMBED_DIM), dtype=h.dtype)
    z = z.at[:, :h_len].set(h.reshape(B, h_len))
    # return self.l(z)
    return z @ W.T + b

if __name__ == "__main__":
    import jax
    _d = setup_inputs()
    print(jax.jit(kernel)(*tuple(_d.values())))

</pallas_src>

<mosaic_0001>
#map = affine_map<(d0, d1) -> (0)>
#map1 = affine_map<(d0, d1) -> (0, 0)>
module attributes {stable_mosaic.version = 14 : i64} {
  func.func @k(%arg0: i32, %arg1: i32, %arg2: memref<819200xi32, #tpu.memory_space<hbm>>, %arg3: memref<1000000x32xf32, #tpu.memory_space<hbm>>, %arg4: memref<819200x32xf32, #tpu.memory_space<hbm>>, %arg5: memref<3200xi32, #tpu.memory_space<vmem>>, %arg6: memref<3200x32xf32, #tpu.memory_space<vmem>>, %arg7: memref<!tpu.dma_semaphore, #tpu.memory_space<semaphore_mem>>) attributes {dimension_semantics = [#tpu.dimension_semantics<core_parallel>, #tpu.dimension_semantics<subcore_parallel>], iteration_bounds = array<i64: 2, 16>, scalar_prefetch = 0 : i64, scratch_operands = 3 : i64, tpu.core_type = #tpu.core_type<sc_vector_subcore>, window_params = [{transform_indices = #map}, {transform_indices = #map1}, {transform_indices = #map1}]} {
    %mul3A = arith.constant 2 : i32
    %mul3A_0 = arith.muli %arg1, %mul3A : i32
    %add3A = arith.addi %mul3A_0, %arg0 : i32
    %mul3A_1 = arith.constant 25600 : i32
    %mul3A_2 = arith.muli %add3A, %mul3A_1 : i32
    %scan3A = arith.constant 0 : i32
    %scan3A_3 = arith.constant 0 : i32
    %scan3A_4 = arith.constant 8 : i32
    %scan3A_5 = arith.addi %scan3A_3, %scan3A_4 : i32
    %scan3A_6 = arith.constant 1 : i32
    scf.for %scan3A_8 = %scan3A_3 to %scan3A_5 step %scan3A_6  : i32 {
      %mul3A_9 = arith.constant 3200 : i32
      %mul3A_10 = arith.muli %scan3A_8, %mul3A_9 : i32
      %add3A_11 = arith.addi %mul3A_2, %mul3A_10 : i32
      %multiple_of3A = tpu.assume_multiple %add3A_11, 3200 : i32
      "tpu.region"() ({
        %run_scoped3A = tpu.sem_alloc : memref<!tpu.dma_semaphore, #tpu.memory_space<semaphore_mem>>
        %dma_start3A_16 = tpu.memref_slice %arg2[%multiple_of3A] : memref<819200xi32, #tpu.memory_space<hbm>> -> memref<3200xi32, #tpu.memory_space<hbm>>
        %dma_start3A_17 = tpu.memref_slice %arg2[%multiple_of3A] : memref<819200xi32, #tpu.memory_space<hbm>> -> memref<3200xi32, #tpu.memory_space<hbm>>
        tpu.enqueue_dma source(%dma_start3A_17 : memref<3200xi32, #tpu.memory_space<hbm>>) target(%arg5 : memref<3200xi32, #tpu.memory_space<vmem>>) target_semaphore(%run_scoped3A : memref<!tpu.dma_semaphore, #tpu.memory_space<semaphore_mem>>)
        %dma_wait3A_18 = tpu.memref_slice %arg2[%multiple_of3A] : memref<819200xi32, #tpu.memory_space<hbm>> -> memref<3200xi32, #tpu.memory_space<hbm>>
        %dma_wait3A_19 = tpu.memref_slice %arg2[%multiple_of3A] : memref<819200xi32, #tpu.memory_space<hbm>> -> memref<3200xi32, #tpu.memory_space<hbm>>
        tpu.wait_dma2 semaphore(%run_scoped3A : memref<!tpu.dma_semaphore, #tpu.memory_space<semaphore_mem>>) src(%dma_wait3A_19 : memref<3200xi32, #tpu.memory_space<hbm>>) dst(%arg5 : memref<3200xi32, #tpu.memory_space<vmem>>)
        tpu.yield
      }) : () -> ()
      %dma_start3A = arith.constant 0 : i32
      %dma_start3A_12 = arith.constant 0 : i32
      %dma_start3A_13 = tpu.memref_slice %arg3[%dma_start3A, %dma_start3A_12] : memref<1000000x32xf32, #tpu.memory_space<hbm>> -> memref<1000000x32xf32, #tpu.memory_space<hbm>>
      tpu.enqueue_indirect_dma source(%dma_start3A_13 : memref<1000000x32xf32, #tpu.memory_space<hbm>>) target(%arg6 : memref<3200x32xf32, #tpu.memory_space<vmem>>) offsets(%arg5 : memref<3200xi32, #tpu.memory_space<vmem>>) semaphore(%arg7 : memref<!tpu.dma_semaphore, #tpu.memory_space<semaphore_mem>>)
      %dma_wait3A = arith.constant 0 : i32
      %dma_wait3A_14 = arith.constant 0 : i32
      %dma_wait3A_15 = tpu.memref_slice %arg3[%dma_wait3A, %dma_wait3A_14] : memref<1000000x32xf32, #tpu.memory_space<hbm>> -> memref<1000000x32xf32, #tpu.memory_space<hbm>>
      tpu.wait_indirect_dma semaphore(%arg7 : memref<!tpu.dma_semaphore, #tpu.memory_space<semaphore_mem>>) src(%dma_wait3A_15 : memref<1000000x32xf32, #tpu.memory_space<hbm>>) dst(%arg6 : memref<3200x32xf32, #tpu.memory_space<vmem>>)
      "tpu.region"() ({
        %run_scoped3A = tpu.sem_alloc : memref<!tpu.dma_semaphore, #tpu.memory_space<semaphore_mem>>
        %dma_start3A_16 = arith.constant 0 : i32
        %dma_start3A_17 = tpu.memref_slice %arg4[%multiple_of3A, %dma_start3A_16] : memref<819200x32xf32, #tpu.memory_space<hbm>> -> memref<3200x32xf32, #tpu.memory_space<hbm>>
        %dma_start3A_18 = arith.constant 0 : i32
        %dma_start3A_19 = tpu.memref_slice %arg4[%multiple_of3A, %dma_start3A_18] : memref<819200x32xf32, #tpu.memory_space<hbm>> -> memref<3200x32xf32, #tpu.memory_space<hbm>>
        tpu.enqueue_dma source(%arg6 : memref<3200x32xf32, #tpu.memory_space<vmem>>) target(%dma_start3A_19 : memref<3200x32xf32, #tpu.memory_space<hbm>>) target_semaphore(%run_scoped3A : memref<!tpu.dma_semaphore, #tpu.memory_space<semaphore_mem>>)
        %dma_wait3A_20 = arith.constant 0 : i32
        %dma_wait3A_21 = tpu.memref_slice %arg4[%multiple_of3A, %dma_wait3A_20] : memref<819200x32xf32, #tpu.memory_space<hbm>> -> memref<3200x32xf32, #tpu.memory_space<hbm>>
        %dma_wait3A_22 = arith.constant 0 : i32
        %dma_wait3A_23 = tpu.memref_slice %arg4[%multiple_of3A, %dma_wait3A_22] : memref<819200x32xf32, #tpu.memory_space<hbm>> -> memref<3200x32xf32, #tpu.memory_space<hbm>>
        tpu.wait_dma2 semaphore(%run_scoped3A : memref<!tpu.dma_semaphore, #tpu.memory_space<semaphore_mem>>) src(%arg6 : memref<3200x32xf32, #tpu.memory_space<vmem>>) dst(%dma_wait3A_23 : memref<3200x32xf32, #tpu.memory_space<hbm>>)
        tpu.yield
      }) : () -> ()
    }
    %scan3A_7 = arith.constant 8 : i32
    return
  }
}

#map = affine_map<(d0, d1) -> (0, 0)>
#map1 = affine_map<(d0, d1) -> (0)>
module attributes {stable_mosaic.version = 14 : i64} {
  func.func @k(%arg0: i32, %arg1: i32, %arg2: memref<32x1000000xf32, #tpu.memory_space<hbm>>, %arg3: memref<32000000xf32, #tpu.memory_space<hbm>>, %arg4: memref<32000xf32, #tpu.memory_space<vmem>>, %arg5: memref<32000xf32, #tpu.memory_space<vmem>>, %arg6: memref<!tpu.dma_semaphore, #tpu.memory_space<semaphore_mem>>) attributes {dimension_semantics = [#tpu.dimension_semantics<core_parallel>, #tpu.dimension_semantics<subcore_parallel>], iteration_bounds = array<i64: 2, 16>, scalar_prefetch = 0 : i64, scratch_operands = 3 : i64, tpu.core_type = #tpu.core_type<sc_vector_subcore>, window_params = [{transform_indices = #map}, {transform_indices = #map1}]} {
    %mul3A = arith.constant 2 : i32
    %mul3A_0 = arith.muli %arg1, %mul3A : i32
    %add3A = arith.addi %mul3A_0, %arg0 : i32
    %iota3A = tpu.iota {dimensions = array<i32: 0>} : vector<16xi32>
    %mul3A_1 = arith.constant 1000 : i32
    %mul3A_2 = vector.broadcast %mul3A_1 : i32 to vector<16xi32>
    %mul3A_3 = arith.muli %iota3A, %mul3A_2 : vector<16xi32>
    %add3A_4 = arith.constant 16000 : i32
    %add3A_5 = vector.broadcast %add3A_4 : i32 to vector<16xi32>
    %add3A_6 = arith.addi %mul3A_3, %add3A_5 : vector<16xi32>
    %scan3A = arith.constant 0 : i32
    %scan3A_7 = arith.constant 0 : i32
    %scan3A_8 = arith.constant 32 : i32
    %scan3A_9 = arith.addi %scan3A_7, %scan3A_8 : i32
    %scan3A_10 = arith.constant 1 : i32
    scf.for %scan3A_12 = %scan3A_7 to %scan3A_9 step %scan3A_10  : i32 {
      %mul3A_13 = arith.constant 32 : i32
      %mul3A_14 = arith.muli %scan3A_12, %mul3A_13 : i32
      %add3A_15 = arith.addi %add3A, %mul3A_14 : i32
      %lt3A = arith.constant 1000 : i32
      %lt3A_16 = arith.cmpi slt, %add3A_15, %lt3A : i32
      %convert_element_type3A = arith.extui %lt3A_16 : i1 to i32
      %cond3A = arith.constant 0 : i32
      %cond3A_17 = arith.cmpi ne, %convert_element_type3A, %cond3A : i32
      scf.if %cond3A_17 {
        %mul3A_18 = arith.constant 1000 : i32
        %mul3A_19 = arith.muli %add3A_15, %mul3A_18 : i32
        %multiple_of3A = tpu.assume_multiple %mul3A_19, 1000 : i32
        %dma_start3A = arith.constant 0 : i32
        %dma_start3A_20 = arith.constant 0 : i32
        %dma_start3A_21 = tpu.memref_slice %arg4[%dma_start3A_20] : memref<32000xf32, #tpu.memory_space<vmem>> -> memref<1000xf32, #tpu.memory_space<vmem>>
        %dma_start3A_22 = tpu.memref_slice %arg2[%dma_start3A, %multiple_of3A] : memref<32x1000000xf32, #tpu.memory_space<hbm>> -> memref<1x1000xf32, #tpu.memory_space<hbm>>
        %dma_start3A_23 = tpu.memref_squeeze %dma_start3A_22 : memref<1x1000xf32, #tpu.memory_space<hbm>> -> memref<1000xf32, #tpu.memory_space<hbm>>
        %dma_start3A_24 = arith.constant 0 : i32
        %dma_start3A_25 = tpu.memref_slice %arg4[%dma_start3A_24] : memref<32000xf32, #tpu.memory_space<vmem>> -> memref<1000xf32, #tpu.memory_space<vmem>>
        %dma_start3A_26 = tpu.memref_slice %arg2[%dma_start3A, %multiple_of3A] : memref<32x1000000xf32, #tpu.memory_space<hbm>> -> memref<1x1000xf32, #tpu.memory_space<hbm>>
        %dma_start3A_27 = tpu.memref_squeeze %dma_start3A_26 : memref<1x1000xf32, #tpu.memory_space<hbm>> -> memref<1000xf32, #tpu.memory_space<hbm>>
        tpu.enqueue_dma source(%dma_start3A_27 : memref<1000xf32, #tpu.memory_space<hbm>>) target(%dma_start3A_25 : memref<1000xf32, #tpu.memory_space<vmem>>) target_semaphore(%arg6 : memref<!tpu.dma_semaphore, #tpu.memory_space<semaphore_mem>>)
        %dma_start3A_28 = arith.constant 1 : i32
        %dma_start3A_29 = arith.constant 1000 : i32
        %dma_start3A_30 = tpu.memref_slice %arg4[%dma_start3A_29] : memref<32000xf32, #tpu.memory_space<vmem>> -> memref<1000xf32, #tpu.memory_space<vmem>>
        %dma_start3A_31 = tpu.memref_slice %arg2[%dma_start3A_28, %multiple_of3A] : memref<32x1000000xf32, #tpu.memory_space<hbm>> -> memref<1x1000xf32, #tpu.memory_space<hbm>>
        %dma_start3A_32 = tpu.memref_squeeze %dma_start3A_31 : memref<1x1000xf32, #tpu.memory_space<hbm>> -> memref<1000xf32, #tpu.memory_space<hbm>>
        %dma_start3A_33 = arith.constant 1000 : i32
        %dma_start3A_34 = tpu.memref_slice %arg4[%dma_start3A_33] : memref<32000xf32, #tpu.memory_space<vmem>> -> memref<1000xf32, #tpu.memory_space<vmem>>
        %dma_start3A_35 = tpu.memref_slice %arg2[%dma_start3A_28, %multiple_of3A] : memref<32x1000000xf32, #tpu.memory_space<hbm>> -> memref<1x1000xf32, #tpu.memory_space<hbm>>
        %dma_start3A_36 = tpu.memref_squeeze %dma_start3A_35 : memref<1x1000xf32, #tpu.memory_space<hbm>> -> memref<1000xf32, #tpu.memory_space<hbm>>
        tpu.enqueue_dma source(%dma_start3A_36 : memref<1000xf32, #tpu.memory_space<hbm>>) target(%dma_start3A_34 : memref<1000xf32, #tpu.memory_space<vmem>>) target_semaphore(%arg6 : memref<!tpu.dma_semaphore, #tpu.memory_space<semaphore_mem>>)
        %dma_start3A_37 = arith.constant 2 : i32
        %dma_start3A_38 = arith.constant 2000 : i32
        %dma_start3A_39 = tpu.memref_slice %arg4[%dma_start3A_38] : memref<32000xf32, #tpu.memory_space<vmem>> -> memref<1000xf32, #tpu.memory_space<vmem>>
        %dma_start3A_40 = tpu.memref_slice %arg2[%dma_start3A_37, %multiple_of3A] : memref<32x1000000xf32, #tpu.memory_space<hbm>> -> memref<1x1000xf32, #tpu.memory_space<hbm>>
        %dma_start3A_41 = tpu.memref_squeeze %dma_start3A_40 : memref<1x1000xf32, #tpu.memory_space<hbm>> -> memref<1000xf32, #tpu.memory_space<hbm>>
        %dma_start3A_42 = arith.constant 2000 : i32
        %dma_start3A_43 = tpu.memref_slice %arg4[%dma_start3A_42] : memref<32000xf32, #tpu.memory_space<vmem>> -> memref<1000xf32, #tpu.memory_space<vmem>>
        %dma_start3A_44 = tpu.memref_slice %arg2[%dma_start3A_37, %multiple_of3A] : memref<32x1000000xf32, #tpu.memory_space<hbm>> -> memref<1x1000xf32, #tpu.memory_space<hbm>>
        %dma_start3A_45 = tpu.memref_squeeze %dma_start3A_44 : memref<1x1000xf32, #tpu.memory_space<hbm>> -> memref<1000xf32, #tpu.memory_space<hbm>>
        tpu.enqueue_dma source(%dma_start3A_45 : memref<1000xf32, #tpu.memory_space<hbm>>) target(%dma_start3A_43 : memref<1000xf32, #tpu.memory_space<vmem>>) target_semaphore(%arg6 : memref<!tpu.dma_semaphore, #tpu.memory_space<semaphore_mem>>)
        %dma_start3A_46 = arith.constant 3 : i32
        %dma_start3A_47 = arith.constant 3000 : i32
        %dma_start3A_48 = tpu.memref_slice %arg4[%dma_start3A_47] : memref<32000xf32, #tpu.memory_space<vmem>> -> memref<1000xf32, #tpu.memory_space<vmem>>
        %dma_start3A_49 = tpu.memref_slice %arg2[%dma_start3A_46, %multiple_of3A] : memref<32x1000000xf32, #tpu.memory_space<hbm>> -> memref<1x1000xf32, #tpu.memory_space<hbm>>
        %dma_start3A_50 = tpu.memref_squeeze %dma_start3A_49 : memref<1x1000xf32, #tpu.memory_space<hbm>> -> memref<1000xf32, #tpu.memory_space<hbm>>
        %dma_start3A_51 = arith.constant 3000 : i32
        %dma_start3A_52 = tpu.memref_slice %arg4[%dma_start3A_51] : memref<32000xf32, #tpu.memory_space<vmem>> -> memref<1000xf32, #tpu.memory_space<vmem>>
        %dma_start3A_53 = tpu.memref_slice %arg2[%dma_start3A_46, %multiple_of3A] : memref<32x1000000xf32, #tpu.memory_space<hbm>> -> memref<1x1000xf32, #tpu.memory_space<hbm>>
        %dma_start3A_54 = tpu.memref_squeeze %dma_start3A_53 : memref<1x1000xf32, #tpu.memory_space<hbm>> -> memref<1000xf32, #tpu.memory_space<hbm>>
        tpu.enqueue_dma source(%dma_start3A_54 : memref<1000xf32, #tpu.memory_space<hbm>>) target(%dma_start3A_52 : memref<1000xf32, #tpu.memory_space<vmem>>) target_semaphore(%arg6 : memref<!tpu.dma_semaphore, #tpu.memory_space<semaphore_mem>>)
        %dma_start3A_55 = arith.constant 4 : i32
        %dma_start3A_56 = arith.constant 4000 : i32
        %dma_start3A_57 = tpu.memref_slice %arg4[%dma_start3A_56] : memref<32000xf32, #tpu.memory_space<vmem>> -> memref<1000xf32, #tpu.memory_space<vmem>>
        %dma_start3A_58 = tpu.memref_slice %arg2[%dma_start3A_55, %multiple_of3A] : memref<32x1000000xf32, #tpu.memory_space<hbm>> -> memref<1x1000xf32, #tpu.memory_space<hbm>>
        %dma_start3A_59 = tpu.memref_squeeze %dma_start3A_58 : memref<1x1000xf32, #tpu.memory_space<hbm>> -> memref<1000xf32, #tpu.memory_space<hbm>>
        %dma_start3A_60 = arith.constant 4000 : i32
        %dma_start3A_61 = tpu.memref_slice %arg4[%dma_start3A_60] : memref<32000xf32, #tpu.memory_space<vmem>> -> memref<1000xf32, #tpu.memory_space<vmem>>
        %dma_start3A_62 = tpu.memref_slice %arg2[%dma_start3A_55, %multiple_of3A] : memref<32x1000000xf32, #tpu.memory_space<hbm>> -> memref<1x1000xf32, #tpu.memory_space<hbm>>
        %dma_start3A_63 = tpu.memref_squeeze %dma_start3A_62 : memref<1x1000xf32, #tpu.memory_space<hbm>> -> memref<1000xf32, #tpu.memory_space<hbm>>
        tpu.enqueue_dma source(%dma_start3A_63 : memref<1000xf32, #tpu.memory_space<hbm>>) target(%dma_start3A_61 : memref<1000xf32, #tpu.memory_space<vmem>>) target_semaphore(%arg6 : memref<!tpu.dma_semaphore, #tpu.memory_space<semaphore_mem>>)
        %dma_start3A_64 = arith.constant 5 : i32
        %dma_start3A_65 = arith.constant 5000 : i32
        %dma_start3A_66 = tpu.memref_slice %arg4[%dma_start3A_65] : memref<32000xf32, #tpu.memory_space<vmem>> -> memref<1000xf32, #tpu.memory_space<vmem>>
        %dma_start3A_67 = tpu.memref_slice %arg2[%dma_start3A_64, %multiple_of3A] : memref<32x1000000xf32, #tpu.memory_space<hbm>> -> memref<1x1000xf32, #tpu.memory_space<hbm>>
        %dma_start3A_68 = tpu.memref_squeeze %dma_start3A_67 : memref<1x1000xf32, #tpu.memory_space<hbm>> -> memref<1000xf32, #tpu.memory_space<hbm>>
        %dma_start3A_69 = arith.constant 5000 : i32
        %dma_start3A_70 = tpu.memref_slice %arg4[%dma_start3A_69] : memref<32000xf32, #tpu.memory_space<vmem>> -> memref<1000xf32, #tpu.memory_space<vmem>>
        %dma_start3A_71 = tpu.memref_slice %arg2[%dma_start3A_64, %multiple_of3A] : memref<32x1000000xf32, #tpu.memory_space<hbm>> -> memref<1x1000xf32, #tpu.memory_space<hbm>>
        %dma_start3A_72 = tpu.memref_squeeze %dma_start3A_71 : memref<1x1000xf32, #tpu.memory_space<hbm>> -> memref<1000xf32, #tpu.memory_space<hbm>>
        tpu.enqueue_dma source(%dma_start3A_72 : memref<1000xf32, #tpu.memory_space<hbm>>) target(%dma_start3A_70 : memref<1000xf32, #tpu.memory_space<vmem>>) target_semaphore(%arg6 : memref<!tpu.dma_semaphore, #tpu.memory_space<semaphore_mem>>)
        %dma_start3A_73 = arith.constant 6 : i32
        %dma_start3A_74 = arith.constant 6000 : i32
        %dma_start3A_75 = tpu.memref_slice %arg4[%dma_start3A_74] : memref<32000xf32, #tpu.memory_space<vmem>> -> memref<1000xf32, #tpu.memory_space<vmem>>
        %dma_start3A_76 = tpu.memref_slice %arg2[%dma_start3A_73, %multiple_of3A] : memref<32x1000000xf32, #tpu.memory_space<hbm>> -> memref<1x1000xf32, #tpu.memory_space<hbm>>
        %dma_start3A_77 = tpu.memref_squeeze %dma_start3A_76 : memref<1x1000xf32, #tpu.memory_space<hbm>> -> memref<1000xf32, #tpu.memory_space<hbm>>
        %dma_start3A_78 = arith.constant 6000 : i32
        %dma_start3A_79 = tpu.memref_slice %arg4[%dma_start3A_78] : memref<32000xf32, #tpu.memory_space<vmem>> -> memref<1000xf32, #tpu.memory_space<vmem>>
        %dma_start3A_80 = tpu.memref_slice %arg2[%dma_start3A_73, %multiple_of3A] : memref<32x1000000xf32, #tpu.memory_space<hbm>> -> memref<1x1000xf32, #tpu.memory_space<hbm>>
        %dma_start3A_81 = tpu.memref_squeeze %dma_start3A_80 : memref<1x1000xf32, #tpu.memory_space<hbm>> -> memref<1000xf32, #tpu.memory_space<hbm>>
        tpu.enqueue_dma source(%dma_start3A_81 : memref<1000xf32, #tpu.memory_space<hbm>>) target(%dma_start3A_79 : memref<1000xf32, #tpu.memory_space<vmem>>) target_semaphore(%arg6 : memref<!tpu.dma_semaphore, #tpu.memory_space<semaphore_mem>>)
        %dma_start3A_82 = arith.constant 7 : i32
        %dma_start3A_83 = arith.constant 7000 : i32
        %dma_start3A_84 = tpu.memref_slice %arg4[%dma_start3A_83] : memref<32000xf32, #tpu.memory_space<vmem>> -> memref<1000xf32, #tpu.memory_space<vmem>>
        %dma_start3A_85 = tpu.memref_slice %arg2[%dma_start3A_82, %multiple_of3A] : memref<32x1000000xf32, #tpu.memory_space<hbm>> -> memref<1x1000xf32, #tpu.memory_space<hbm>>
        %dma_start3A_86 = tpu.memref_squeeze %dma_start3A_85 : memref<1x1000xf32, #tpu.memory_space<hbm>> -> memref<1000xf32, #tpu.memory_space<hbm>>
        %dma_start3A_87 = arith.constant 7000 : i32
        %dma_start3A_88 = tpu.memref_slice %arg4[%dma_start3A_87] : memref<32000xf32, #tpu.memory_space<vmem>> -> memref<1000xf32, #tpu.memory_space<vmem>>
        %dma_start3A_89 = tpu.memref_slice %arg2[%dma_start3A_82, %multiple_of3A] : memref<32x1000000xf32, #tpu.memory_space<hbm>> -> memref<1x1000xf32, #tpu.memory_space<hbm>>
        %dma_start3A_90 = tpu.memref_squeeze %dma_start3A_89 : memref<1x1000xf32, #tpu.memory_space<hbm>> -> memref<1000xf32, #tpu.memory_space<hbm>>
        tpu.enqueue_dma source(%dma_start3A_90 : memref<1000xf32, #tpu.memory_space<hbm>>) target(%dma_start3A_88 : memref<1000xf32, #tpu.memory_space<vmem>>) target_semaphore(%arg6 : memref<!tpu.dma_semaphore, #tpu.memory_space<semaphore_mem>>)
        %dma_start3A_91 = arith.constant 8 : i32
        %dma_start3A_92 = arith.constant 8000 : i32
        %dma_start3A_93 = tpu.memref_slice %arg4[%dma_start3A_92] : memref<32000xf32, #tpu.memory_space<vmem>> -> memref<1000xf32, #tpu.memory_space<vmem>>
        %dma_start3A_94 = tpu.memref_slice %arg2[%dma_start3A_91, %multiple_of3A] : memref<32x1000000xf32, #tpu.memory_space<hbm>> -> memref<1x1000xf32, #tpu.memory_space<hbm>>
        %dma_start3A_95 = tpu.memref_squeeze %dma_start3A_94 : memref<1x1000xf32, #tpu.memory_space<hbm>> -> memref<1000xf32, #tpu.memory_space<hbm>>
        %dma_start3A_96 = arith.constant 8000 : i32
        %dma_start3A_97 = tpu.memref_slice %arg4[%dma_start3A_96] : memref<32000xf32, #tpu.memory_space<vmem>> -> memref<1000xf32, #tpu.memory_space<vmem>>
        %dma_start3A_98 = tpu.memref_slice %arg2[%dma_start3A_91, %multiple_of3A] : memref<32x1000000xf32, #tpu.memory_space<hbm>> -> memref<1x1000xf32, #tpu.memory_space<hbm>>
        %dma_start3A_99 = tpu.memref_squeeze %dma_start3A_98 : memref<1x1000xf32, #tpu.memory_space<hbm>> -> memref<1000xf32, #tpu.memory_space<hbm>>
        tpu.enqueue_dma source(%dma_start3A_99 : memref<1000xf32, #tpu.memory_space<hbm>>) target(%dma_start3A_97 : memref<1000xf32, #tpu.memory_space<vmem>>) target_semaphore(%arg6 : memref<!tpu.dma_semaphore, #tpu.memory_space<semaphore_mem>>)
        %dma_start3A_100 = arith.constant 9 : i32
        %dma_start3A_101 = arith.constant 9000 : i32
        %dma_start3A_102 = tpu.memref_slice %arg4[%dma_start3A_101] : memref<32000xf32, #tpu.memory_space<vmem>> -> memref<1000xf32, #tpu.memory_space<vmem>>
        %dma_start3A_103 = tpu.memref_slice %arg2[%dma_start3A_100, %multiple_of3A] : memref<32x1000000xf32, #tpu.memory_space<hbm>> -> memref<1x1000xf32, #tpu.memory_space<hbm>>
        %dma_start3A_104 = tpu.memref_squeeze %dma_start3A_103 : memref<1x1000xf32, #tpu.memory_space<hbm>> -> memref<1000xf32, #tpu.memory_space<hbm>>
        %dma_start3A_105 = arith.constant 9000 : i32
        %dma_start3A_106 = tpu.memref_slice %arg4[%dma_start3A_105] : memref<32000xf32, #tpu.memory_space<vmem>> -> memref<1000xf32, #tpu.memory_space<vmem>>
        %dma_start3A_107 = tpu.memref_slice %arg2[%dma_start3A_100, %multiple_of3A] : memref<32x1000000xf32, #tpu.memory_space<hbm>> -> memref<1x1000xf32, #tpu.memory_space<hbm>>
        %dma_start3A_108 = tpu.memref_squeeze %dma_start3A_107 : memref<1x1000xf32, #tpu.memory_space<hbm>> -> memref<1000xf32, #tpu.memory_space<hbm>>
        tpu.enqueue_dma source(%dma_start3A_108 : memref<1000xf32, #tpu.memory_space<hbm>>) target(%dma_start3A_106 : memref<1000xf32, #tpu.memory_space<vmem>>) target_semaphore(%arg6 : memref<!tpu.dma_semaphore, #tpu.memory_space<semaphore_mem>>)
        %dma_start3A_109 = arith.constant 10 : i32
        %dma_start3A_110 = arith.constant 10000 : i32
        %dma_start3A_111 = tpu.memref_slice %arg4[%dma_start3A_110] : memref<32000xf32, #tpu.memory_space<vmem>> -> memref<1000xf32, #tpu.memory_space<vmem>>
        %dma_start3A_112 = tpu.memref_slice %arg2[%dma_start3A_109, %multiple_of3A] : memref<32x1000000xf32, #tpu.memory_space<hbm>> -> memref<1x1000xf32, #tpu.memory_space<hbm>>
        %dma_start3A_113 = tpu.memref_squeeze %dma_start3A_112 : memref<1x1000xf32, #tpu.memory_space<hbm>> -> memref<1000xf32, #tpu.memory_space<hbm>>
        %dma_start3A_114 = arith.constant 10000 : i32
        %dma_start3A_115 = tpu.memref_slice %arg4[%dma_start3A_114] : memref<32000xf32, #tpu.memory_space<vmem>> -> memref<1000xf32, #tpu.memory_space<vmem>>
        %dma_start3A_116 = tpu.memref_slice %arg2[%dma_start3A_109, %multiple_of3A] : memref<32x1000000xf32, #tpu.memory_space<hbm>> -> memref<1x1000xf32, #tpu.memory_space<hbm>>
        %dma_start3A_117 = tpu.memref_squeeze %dma_start3A_116 : memref<1x1000xf32, #tpu.memory_space<hbm>> -> memref<1000xf32, #tpu.memory_space<hbm>>
        tpu.enqueue_dma source(%dma_start3A_117 : memref<1000xf32, #tpu.memory_space<hbm>>) target(%dma_start3A_115 : memref<1000xf32, #tpu.memory_space<vmem>>) target_semaphore(%arg6 : memref<!tpu.dma_semaphore, #tpu.memory_space<semaphore_mem>>)
        %dma_start3A_118 = arith.constant 11 : i32
        %dma_start3A_119 = arith.constant 11000 : i32
        %dma_start3A_120 = tpu.memref_slice %arg4[%dma_start3A_119] : memref<32000xf32, #tpu.memory_space<vmem>> -> memref<1000xf32, #tpu.memory_space<vmem>>
        %dma_start3A_121 = tpu.memref_slice %arg2[%dma_start3A_118, %multiple_of3A] : memref<32x1000000xf32, #tpu.memory_space<hbm>> -> memref<1x1000xf32, #tpu.memory_space<hbm>>
        %dma_start3A_122 = tpu.memref_squeeze %dma_start3A_121 : memref<1x1000xf32, #tpu.memory_space<hbm>> -> memref<1000xf32, #tpu.memory_space<hbm>>
        %dma_start3A_123 = arith.constant 11000 : i32
        %dma_start3A_124 = tpu.memref_slice %arg4[%dma_start3A_123] : memref<32000xf32, #tpu.memory_space<vmem>> -> memref<1000xf32, #tpu.memory_space<vmem>>
        %dma_start3A_125 = tpu.memref_slice %arg2[%dma_start3A_118, %multiple_of3A] : memref<32x1000000xf32, #tpu.memory_space<hbm>> -> memref<1x1000xf32, #tpu.memory_space<hbm>>
        %dma_start3A_126 = tpu.memref_squeeze %dma_start3A_125 : memref<1x1000xf32, #tpu.memory_space<hbm>> -> memref<1000xf32, #tpu.memory_space<hbm>>
        tpu.enqueue_dma source(%dma_start3A_126 : memref<1000xf32, #tpu.memory_space<hbm>>) target(%dma_start3A_124 : memref<1000xf32, #tpu.memory_space<vmem>>) target_semaphore(%arg6 : memref<!tpu.dma_semaphore, #tpu.memory_space<semaphore_mem>>)
        %dma_start3A_127 = arith.constant 12 : i32
        %dma_start3A_128 = arith.constant 12000 : i32
        %dma_start3A_129 = tpu.memref_slice %arg4[%dma_start3A_128] : memref<32000xf32, #tpu.memory_space<vmem>> -> memref<1000xf32, #tpu.memory_space<vmem>>
        %dma_start3A_130 = tpu.memref_slice %arg2[%dma_start3A_127, %multiple_of3A] : memref<32x1000000xf32, #tpu.memory_space<hbm>> -> memref<1x1000xf32, #tpu.memory_space<hbm>>
        %dma_start3A_131 = tpu.memref_squeeze %dma_start3A_130 : memref<1x1000xf32, #tpu.memory_space<hbm>> -> memref<1000xf32, #tpu.memory_space<hbm>>
        %dma_start3A_132 = arith.constant 12000 : i32
        %dma_start3A_133 = tpu.memref_slice %arg4[%dma_start3A_132] : memref<32000xf32, #tpu.memory_space<vmem>> -> memref<1000xf32, #tpu.memory_space<vmem>>
        %dma_start3A_134 = tpu.memref_slice %arg2[%dma_start3A_127, %multiple_of3A] : memref<32x1000000xf32, #tpu.memory_space<hbm>> -> memref<1x1000xf32, #tpu.memory_space<hbm>>
        %dma_start3A_135 = tpu.memref_squeeze %dma_start3A_134 : memref<1x1000xf32, #tpu.memory_space<hbm>> -> memref<1000xf32, #tpu.memory_space<hbm>>
        tpu.enqueue_dma source(%dma_start3A_135 : memref<1000xf32, #tpu.memory_space<hbm>>) target(%dma_start3A_133 : memref<1000xf32, #tpu.memory_space<vmem>>) target_semaphore(%arg6 : memref<!tpu.dma_semaphore, #tpu.memory_space<semaphore_mem>>)
        %dma_start3A_136 = arith.constant 13 : i32
        %dma_start3A_137 = arith.constant 13000 : i32
        %dma_start3A_138 = tpu.memref_slice %arg4[%dma_start3A_137] : memref<32000xf32, #tpu.memory_space<vmem>> -> memref<1000xf32, #tpu.memory_space<vmem>>
        %dma_start3A_139 = tpu.memref_slice %arg2[%dma_start3A_136, %multiple_of3A] : memref<32x1000000xf32, #tpu.memory_space<hbm>> -> memref<1x1000xf32, #tpu.memory_space<hbm>>
        %dma_start3A_140 = tpu.memref_squeeze %dma_start3A_139 : memref<1x1000xf32, #tpu.memory_space<hbm>> -> memref<1000xf32, #tpu.memory_space<hbm>>
        %dma_start3A_141 = arith.constant 13000 : i32
        %dma_start3A_142 = tpu.memref_slice %arg4[%dma_start3A_141] : memref<32000xf32, #tpu.memory_space<vmem>> -> memref<1000xf32, #tpu.memory_space<vmem>>
        %dma_start3A_143 = tpu.memref_slice %arg2[%dma_start3A_136, %multiple_of3A] : memref<32x1000000xf32, #tpu.memory_space<hbm>> -> memref<1x1000xf32, #tpu.memory_space<hbm>>
        %dma_start3A_144 = tpu.memref_squeeze %dma_start3A_143 : memref<1x1000xf32, #tpu.memory_space<hbm>> -> memref<1000xf32, #tpu.memory_space<hbm>>
        tpu.enqueue_dma source(%dma_start3A_144 : memref<1000xf32, #tpu.memory_space<hbm>>) target(%dma_start3A_142 : memref<1000xf32, #tpu.memory_space<vmem>>) target_semaphore(%arg6 : memref<!tpu.dma_semaphore, #tpu.memory_space<semaphore_mem>>)
        %dma_start3A_145 = arith.constant 14 : i32
        %dma_start3A_146 = arith.constant 14000 : i32
        %dma_start3A_147 = tpu.memref_slice %arg4[%dma_start3A_146] : memref<32000xf32, #tpu.memory_space<vmem>> -> memref<1000xf32, #tpu.memory_space<vmem>>
        %dma_start3A_148 = tpu.memref_slice %arg2[%dma_start3A_145, %multiple_of3A] : memref<32x1000000xf32, #tpu.memory_space<hbm>> -> memref<1x1000xf32, #tpu.memory_space<hbm>>
        %dma_start3A_149 = tpu.memref_squeeze %dma_start3A_148 : memref<1x1000xf32, #tpu.memory_space<hbm>> -> memref<1000xf32, #tpu.memory_space<hbm>>
        %dma_start3A_150 = arith.constant 14000 : i32
        %dma_start3A_151 = tpu.memref_slice %arg4[%dma_start3A_150] : memref<32000xf32, #tpu.memory_space<vmem>> -> memref<1000xf32, #tpu.memory_space<vmem>>
        %dma_start3A_152 = tpu.memref_slice %arg2[%dma_start3A_145, %multiple_of3A] : memref<32x1000000xf32, #tpu.memory_space<hbm>> -> memref<1x1000xf32, #tpu.memory_space<hbm>>
        %dma_start3A_153 = tpu.memref_squeeze %dma_start3A_152 : memref<1x1000xf32, #tpu.memory_space<hbm>> -> memref<1000xf32, #tpu.memory_space<hbm>>
        tpu.enqueue_dma source(%dma_start3A_153 : memref<1000xf32, #tpu.memory_space<hbm>>) target(%dma_start3A_151 : memref<1000xf32, #tpu.memory_space<vmem>>) target_semaphore(%arg6 : memref<!tpu.dma_semaphore, #tpu.memory_space<semaphore_mem>>)
        %dma_start3A_154 = arith.constant 15 : i32
        %dma_start3A_155 = arith.constant 15000 : i32
        %dma_start3A_156 = tpu.memref_slice %arg4[%dma_start3A_155] : memref<32000xf32, #tpu.memory_space<vmem>> -> memref<1000xf32, #tpu.memory_space<vmem>>
        %dma_start3A_157 = tpu.memref_slice %arg2[%dma_start3A_154, %multiple_of3A] : memref<32x1000000xf32, #tpu.memory_space<hbm>> -> memref<1x1000xf32, #tpu.memory_space<hbm>>
        %dma_start3A_158 = tpu.memref_squeeze %dma_start3A_157 : memref<1x1000xf32, #tpu.memory_space<hbm>> -> memref<1000xf32, #tpu.memory_space<hbm>>
        %dma_start3A_159 = arith.constant 15000 : i32
        %dma_start3A_160 = tpu.memref_slice %arg4[%dma_start3A_159] : memref<32000xf32, #tpu.memory_space<vmem>> -> memref<1000xf32, #tpu.memory_space<vmem>>
        %dma_start3A_161 = tpu.memref_slice %arg2[%dma_start3A_154, %multiple_of3A] : memref<32x1000000xf32, #tpu.memory_space<hbm>> -> memref<1x1000xf32, #tpu.memory_space<hbm>>
        %dma_start3A_162 = tpu.memref_squeeze %dma_start3A_161 : memref<1x1000xf32, #tpu.memory_space<hbm>> -> memref<1000xf32, #tpu.memory_space<hbm>>
        tpu.enqueue_dma source(%dma_start3A_162 : memref<1000xf32, #tpu.memory_space<hbm>>) target(%dma_start3A_160 : memref<1000xf32, #tpu.memory_space<vmem>>) target_semaphore(%arg6 : memref<!tpu.dma_semaphore, #tpu.memory_space<semaphore_mem>>)
        %dma_start3A_163 = arith.constant 16 : i32
        %dma_start3A_164 = arith.constant 16000 : i32
        %dma_start3A_165 = tpu.memref_slice %arg4[%dma_start3A_164] : memref<32000xf32, #tpu.memory_space<vmem>> -> memref<1000xf32, #tpu.memory_space<vmem>>
        %dma_start3A_166 = tpu.memref_slice %arg2[%dma_start3A_163, %multiple_of3A] : memref<32x1000000xf32, #tpu.memory_space<hbm>> -> memref<1x1000xf32, #tpu.memory_space<hbm>>
        %dma_start3A_167 = tpu.memref_squeeze %dma_start3A_166 : memref<1x1000xf32, #tpu.memory_space<hbm>> -> memref<1000xf32, #tpu.memory_space<hbm>>
        %dma_start3A_168 = arith.constant 16000 : i32
        %dma_start3A_169 = tpu.memref_slice %arg4[%dma_start3A_168] : memref<32000xf32, #tpu.memory_space<vmem>> -> memref<1000xf32, #tpu.memory_space<vmem>>
        %dma_start3A_170 = tpu.memref_slice %arg2[%dma_start3A_163, %multiple_of3A] : memref<32x1000000xf32, #tpu.memory_space<hbm>> -> memref<1x1000xf32, #tpu.memory_space<hbm>>
        %dma_start3A_171 = tpu.memref_squeeze %dma_start3A_170 : memref<1x1000xf32, #tpu.memory_space<hbm>> -> memref<1000xf32, #tpu.memory_space<hbm>>
        tpu.enqueue_dma source(%dma_start3A_171 : memref<1000xf32, #tpu.memory_space<hbm>>) target(%dma_start3A_169 : memref<1000xf32, #tpu.memory_space<vmem>>) target_semaphore(%arg6 : memref<!tpu.dma_semaphore, #tpu.memory_space<semaphore_mem>>)
        %dma_start3A_172 = arith.constant 17 : i32
        %dma_start3A_173 = arith.constant 17000 : i32
        %dma_start3A_174 = tpu.memref_slice %arg4[%dma_start3A_173] : memref<32000xf32, #tpu.memory_space<vmem>> -> memref<1000xf32, #tpu.memory_space<vmem>>
        %dma_start3A_175 = tpu.memref_slice %arg2[%dma_start3A_172, %multiple_of3A] : memref<32x1000000xf32, #tpu.memory_space<hbm>> -> memref<1x1000xf32, #tpu.memory_space<hbm>>
        %dma_start3A_176 = tpu.memref_squeeze %dma_start3A_175 : memref<1x1000xf32, #tpu.memory_space<hbm>> -> memref<1000xf32, #tpu.memory_space<hbm>>
        %dma_start3A_177 = arith.constant 17000 : i32
        %dma_start3A_178 = tpu.memref_slice %arg4[%dma_start3A_177] : memref<32000xf32, #tpu.memory_space<vmem>> -> memref<1000xf32, #tpu.memory_space<vmem>>
        %dma_start3A_179 = tpu.memref_slice %arg2[%dma_start3A_172, %multiple_of3A] : memref<32x1000000xf32, #tpu.memory_space<hbm>> -> memref<1x1000xf32, #tpu.memory_space<hbm>>
        %dma_start3A_180 = tpu.memref_squeeze %dma_start3A_179 : memref<1x1000xf32, #tpu.memory_space<hbm>> -> memref<1000xf32, #tpu.memory_space<hbm>>
        tpu.enqueue_dma source(%dma_start3A_180 : memref<1000xf32, #tpu.memory_space<hbm>>) target(%dma_start3A_178 : memref<1000xf32, #tpu.memory_space<vmem>>) target_semaphore(%arg6 : memref<!tpu.dma_semaphore, #tpu.memory_space<semaphore_mem>>)
        %dma_start3A_181 = arith.constant 18 : i32
        %dma_start3A_182 = arith.constant 18000 : i32
        %dma_start3A_183 = tpu.memref_slice %arg4[%dma_start3A_182] : memref<32000xf32, #tpu.memory_space<vmem>> -> memref<1000xf32, #tpu.memory_space<vmem>>
        %dma_start3A_184 = tpu.memref_slice %arg2[%dma_start3A_181, %multiple_of3A] : memref<32x1000000xf32, #tpu.memory_space<hbm>> -> memref<1x1000xf32, #tpu.memory_space<hbm>>
        %dma_start3A_185 = tpu.memref_squeeze %dma_start3A_184 : memref<1x1000xf32, #tpu.memory_space<hbm>> -> memref<1000xf32, #tpu.memory_space<hbm>>
        %dma_start3A_186 = arith.constant 18000 : i32
        %dma_start3A_187 = tpu.memref_slice %arg4[%dma_start3A_186] : memref<32000xf32, #tpu.memory_space<vmem>> -> memref<1000xf32, #tpu.memory_space<vmem>>
        %dma_start3A_188 = tpu.memref_slice %arg2[%dma_start3A_181, %multiple_of3A] : memref<32x1000000xf32, #tpu.memory_space<hbm>> -> memref<1x1000xf32, #tpu.memory_space<hbm>>
        %dma_start3A_189 = tpu.memref_squeeze %dma_start3A_188 : memref<1x1000xf32, #tpu.memory_space<hbm>> -> memref<1000xf32, #tpu.memory_space<hbm>>
        tpu.enqueue_dma source(%dma_start3A_189 : memref<1000xf32, #tpu.memory_space<hbm>>) target(%dma_start3A_187 : memref<1000xf32, #tpu.memory_space<vmem>>) target_semaphore(%arg6 : memref<!tpu.dma_semaphore, #tpu.memory_space<semaphore_mem>>)
        %dma_start3A_190 = arith.constant 19 : i32
        %dma_start3A_191 = arith.constant 19000 : i32
        %dma_start3A_192 = tpu.memref_slice %arg4[%dma_start3A_191] : memref<32000xf32, #tpu.memory_space<vmem>> -> memref<1000xf32, #tpu.memory_space<vmem>>
        %dma_start3A_193 = tpu.memref_slice %arg2[%dma_start3A_190, %multiple_of3A] : memref<32x1000000xf32, #tpu.memory_space<hbm>> -> memref<1x1000xf32, #tpu.memory_space<hbm>>
        %dma_start3A_194 = tpu.memref_squeeze %dma_start3A_193 : memref<1x1000xf32, #tpu.memory_space<hbm>> -> memref<1000xf32, #tpu.memory_space<hbm>>
        %dma_start3A_195 = arith.constant 19000 : i32
        %dma_start3A_196 = tpu.memref_slice %arg4[%dma_start3A_195] : memref<32000xf32, #tpu.memory_space<vmem>> -> memref<1000xf32, #tpu.memory_space<vmem>>
        %dma_start3A_197 = tpu.memref_slice %arg2[%dma_start3A_190, %multiple_of3A] : memref<32x1000000xf32, #tpu.memory_space<hbm>> -> memref<1x1000xf32, #tpu.memory_space<hbm>>
        %dma_start3A_198 = tpu.memref_squeeze %dma_start3A_197 : memref<1x1000xf32, #tpu.memory_space<hbm>> -> memref<1000xf32, #tpu.memory_space<hbm>>
        tpu.enqueue_dma source(%dma_start3A_198 : memref<1000xf32, #tpu.memory_space<hbm>>) target(%dma_start3A_196 : memref<1000xf32, #tpu.memory_space<vmem>>) target_semaphore(%arg6 : memref<!tpu.dma_semaphore, #tpu.memory_space<semaphore_mem>>)
        %dma_start3A_199 = arith.constant 20 : i32
        %dma_start3A_200 = arith.constant 20000 : i32
        %dma_start3A_201 = tpu.memref_slice %arg4[%dma_start3A_200] : memref<32000xf32, #tpu.memory_space<vmem>> -> memref<1000xf32, #tpu.memory_space<vmem>>
        %dma_start3A_202 = tpu.memref_slice %arg2[%dma_start3A_199, %multiple_of3A] : memref<32x1000000xf32, #tpu.memory_space<hbm>> -> memref<1x1000xf32, #tpu.memory_space<hbm>>
        %dma_start3A_203 = tpu.memref_squeeze %dma_start3A_202 : memref<1x1000xf32, #tpu.memory_space<hbm>> -> memref<1000xf32, #tpu.memory_space<hbm>>
        %dma_start3A_204 = arith.constant 20000 : i32
        %dma_start3A_205 = tpu.memref_slice %arg4[%dma_start3A_204] : memref<32000xf32, #tpu.memory_space<vmem>> -> memref<1000xf32, #tpu.memory_space<vmem>>
        %dma_start3A_206 = tpu.memref_slice %arg2[%dma_start3A_199, %multiple_of3A] : memref<32x1000000xf32, #tpu.memory_space<hbm>> -> memref<1x1000xf32, #tpu.memory_space<hbm>>
        %dma_start3A_207 = tpu.memref_squeeze %dma_start3A_206 : memref<1x1000xf32, #tpu.memory_space<hbm>> -> memref<1000xf32, #tpu.memory_space<hbm>>
        tpu.enqueue_dma source(%dma_start3A_207 : memref<1000xf32, #tpu.memory_space<hbm>>) target(%dma_start3A_205 : memref<1000xf32, #tpu.memory_space<vmem>>) target_semaphore(%arg6 : memref<!tpu.dma_semaphore, #tpu.memory_space<semaphore_mem>>)
        %dma_start3A_208 = arith.constant 21 : i32
        %dma_start3A_209 = arith.constant 21000 : i32
        %dma_start3A_210 = tpu.memref_slice %arg4[%dma_start3A_209] : memref<32000xf32, #tpu.memory_space<vmem>> -> memref<1000xf32, #tpu.memory_space<vmem>>
        %dma_start3A_211 = tpu.memref_slice %arg2[%dma_start3A_208, %multiple_of3A] : memref<32x1000000xf32, #tpu.memory_space<hbm>> -> memref<1x1000xf32, #tpu.memory_space<hbm>>
        %dma_start3A_212 = tpu.memref_squeeze %dma_start3A_211 : memref<1x1000xf32, #tpu.memory_space<hbm>> -> memref<1000xf32, #tpu.memory_space<hbm>>
        %dma_start3A_213 = arith.constant 21000 : i32
        %dma_start3A_214 = tpu.memref_slice %arg4[%dma_start3A_213] : memref<32000xf32, #tpu.memory_space<vmem>> -> memref<1000xf32, #tpu.memory_space<vmem>>
        %dma_start3A_215 = tpu.memref_slice %arg2[%dma_start3A_208, %multiple_of3A] : memref<32x1000000xf32, #tpu.memory_space<hbm>> -> memref<1x1000xf32, #tpu.memory_space<hbm>>
        %dma_start3A_216 = tpu.memref_squeeze %dma_start3A_215 : memref<1x1000xf32, #tpu.memory_space<hbm>> -> memref<1000xf32, #tpu.memory_space<hbm>>
        tpu.enqueue_dma source(%dma_start3A_216 : memref<1000xf32, #tpu.memory_space<hbm>>) target(%dma_start3A_214 : memref<1000xf32, #tpu.memory_space<vmem>>) target_semaphore(%arg6 : memref<!tpu.dma_semaphore, #tpu.memory_space<semaphore_mem>>)
        %dma_start3A_217 = arith.constant 22 : i32
        %dma_start3A_218 = arith.constant 22000 : i32
        %dma_start3A_219 = tpu.memref_slice %arg4[%dma_start3A_218] : memref<32000xf32, #tpu.memory_space<vmem>> -> memref<1000xf32, #tpu.memory_space<vmem>>
        %dma_start3A_220 = tpu.memref_slice %arg2[%dma_start3A_217, %multiple_of3A] : memref<32x1000000xf32, #tpu.memory_space<hbm>> -> memref<1x1000xf32, #tpu.memory_space<hbm>>
        %dma_start3A_221 = tpu.memref_squeeze %dma_start3A_220 : memref<1x1000xf32, #tpu.memory_space<hbm>> -> memref<1000xf32, #tpu.memory_space<hbm>>
        %dma_start3A_222 = arith.constant 22000 : i32
        %dma_start3A_223 = tpu.memref_slice %arg4[%dma_start3A_222] : memref<32000xf32, #tpu.memory_space<vmem>> -> memref<1000xf32, #tpu.memory_space<vmem>>
        %dma_start3A_224 = tpu.memref_slice %arg2[%dma_start3A_217, %multiple_of3A] : memref<32x1000000xf32, #tpu.memory_space<hbm>> -> memref<1x1000xf32, #tpu.memory_space<hbm>>
        %dma_start3A_225 = tpu.memref_squeeze %dma_start3A_224 : memref<1x1000xf32, #tpu.memory_space<hbm>> -> memref<1000xf32, #tpu.memory_space<hbm>>
        tpu.enqueue_dma source(%dma_start3A_225 : memref<1000xf32, #tpu.memory_space<hbm>>) target(%dma_start3A_223 : memref<1000xf32, #tpu.memory_space<vmem>>) target_semaphore(%arg6 : memref<!tpu.dma_semaphore, #tpu.memory_space<semaphore_mem>>)
        %dma_start3A_226 = arith.constant 23 : i32
        %dma_start3A_227 = arith.constant 23000 : i32
        %dma_start3A_228 = tpu.memref_slice %arg4[%dma_start3A_227] : memref<32000xf32, #tpu.memory_space<vmem>> -> memref<1000xf32, #tpu.memory_space<vmem>>
        %dma_start3A_229 = tpu.memref_slice %arg2[%dma_start3A_226, %multiple_of3A] : memref<32x1000000xf32, #tpu.memory_space<hbm>> -> memref<1x1000xf32, #tpu.memory_space<hbm>>
        %dma_start3A_230 = tpu.memref_squeeze %dma_start3A_229 : memref<1x1000xf32, #tpu.memory_space<hbm>> -> memref<1000xf32, #tpu.memory_space<hbm>>
        %dma_start3A_231 = arith.constant 23000 : i32
        %dma_start3A_232 = tpu.memref_slice %arg4[%dma_start3A_231] : memref<32000xf32, #tpu.memory_space<vmem>> -> memref<1000xf32, #tpu.memory_space<vmem>>
        %dma_start3A_233 = tpu.memref_slice %arg2[%dma_start3A_226, %multiple_of3A] : memref<32x1000000xf32, #tpu.memory_space<hbm>> -> memref<1x1000xf32, #tpu.memory_space<hbm>>
        %dma_start3A_234 = tpu.memref_squeeze %dma_start3A_233 : memref<1x1000xf32, #tpu.memory_space<hbm>> -> memref<1000xf32, #tpu.memory_space<hbm>>
        tpu.enqueue_dma source(%dma_start3A_234 : memref<1000xf32, #tpu.memory_space<hbm>>) target(%dma_start3A_232 : memref<1000xf32, #tpu.memory_space<vmem>>) target_semaphore(%arg6 : memref<!tpu.dma_semaphore, #tpu.memory_space<semaphore_mem>>)
        %dma_start3A_235 = arith.constant 24 : i32
        %dma_start3A_236 = arith.constant 24000 : i32
        %dma_start3A_237 = tpu.memref_slice %arg4[%dma_start3A_236] : memref<32000xf32, #tpu.memory_space<vmem>> -> memref<1000xf32, #tpu.memory_space<vmem>>
        %dma_start3A_238 = tpu.memref_slice %arg2[%dma_start3A_235, %multiple_of3A] : memref<32x1000000xf32, #tpu.memory_space<hbm>> -> memref<1x1000xf32, #tpu.memory_space<hbm>>
        %dma_start3A_239 = tpu.memref_squeeze %dma_start3A_238 : memref<1x1000xf32, #tpu.memory_space<hbm>> -> memref<1000xf32, #tpu.memory_space<hbm>>
        %dma_start3A_240 = arith.constant 24000 : i32
        %dma_start3A_241 = tpu.memref_slice %arg4[%dma_start3A_240] : memref<32000xf32, #tpu.memory_space<vmem>> -> memref<1000xf32, #tpu.memory_space<vmem>>
        %dma_start3A_242 = tpu.memref_slice %arg2[%dma_start3A_235, %multiple_of3A] : memref<32x1000000xf32, #tpu.memory_space<hbm>> -> memref<1x1000xf32, #tpu.memory_space<hbm>>
        %dma_start3A_243 = tpu.memref_squeeze %dma_start3A_242 : memref<1x1000xf32, #tpu.memory_space<hbm>> -> memref<1000xf32, #tpu.memory_space<hbm>>
        tpu.enqueue_dma source(%dma_start3A_243 : memref<1000xf32, #tpu.memory_space<hbm>>) target(%dma_start3A_241 : memref<1000xf32, #tpu.memory_space<vmem>>) target_semaphore(%arg6 : memref<!tpu.dma_semaphore, #tpu.memory_space<semaphore_mem>>)
        %dma_start3A_244 = arith.constant 25 : i32
        %dma_start3A_245 = arith.constant 25000 : i32
        %dma_start3A_246 = tpu.memref_slice %arg4[%dma_start3A_245] : memref<32000xf32, #tpu.memory_space<vmem>> -> memref<1000xf32, #tpu.memory_space<vmem>>
        %dma_start3A_247 = tpu.memref_slice %arg2[%dma_start3A_244, %multiple_of3A] : memref<32x1000000xf32, #tpu.memory_space<hbm>> -> memref<1x1000xf32, #tpu.memory_space<hbm>>
        %dma_start3A_248 = tpu.memref_squeeze %dma_start3A_247 : memref<1x1000xf32, #tpu.memory_space<hbm>> -> memref<1000xf32, #tpu.memory_space<hbm>>
        %dma_start3A_249 = arith.constant 25000 : i32
        %dma_start3A_250 = tpu.memref_slice %arg4[%dma_start3A_249] : memref<32000xf32, #tpu.memory_space<vmem>> -> memref<1000xf32, #tpu.memory_space<vmem>>
        %dma_start3A_251 = tpu.memref_slice %arg2[%dma_start3A_244, %multiple_of3A] : memref<32x1000000xf32, #tpu.memory_space<hbm>> -> memref<1x1000xf32, #tpu.memory_space<hbm>>
        %dma_start3A_252 = tpu.memref_squeeze %dma_start3A_251 : memref<1x1000xf32, #tpu.memory_space<hbm>> -> memref<1000xf32, #tpu.memory_space<hbm>>
        tpu.enqueue_dma source(%dma_start3A_252 : memref<1000xf32, #tpu.memory_space<hbm>>) target(%dma_start3A_250 : memref<1000xf32, #tpu.memory_space<vmem>>) target_semaphore(%arg6 : memref<!tpu.dma_semaphore, #tpu.memory_space<semaphore_mem>>)
        %dma_start3A_253 = arith.constant 26 : i32
        %dma_start3A_254 = arith.constant 26000 : i32
        %dma_start3A_255 = tpu.memref_slice %arg4[%dma_start3A_254] : memref<32000xf32, #tpu.memory_space<vmem>> -> memref<1000xf32, #tpu.memory_space<vmem>>
        %dma_start3A_256 = tpu.memref_slice %arg2[%dma_start3A_253, %multiple_of3A] : memref<32x1000000xf32, #tpu.memory_space<hbm>> -> memref<1x1000xf32, #tpu.memory_space<hbm>>
        %dma_start3A_257 = tpu.memref_squeeze %dma_start3A_256 : memref<1x1000xf32, #tpu.memory_space<hbm>> -> memref<1000xf32, #tpu.memory_space<hbm>>
        %dma_start3A_258 = arith.constant 26000 : i32
        %dma_start3A_259 = tpu.memref_slice %arg4[%dma_start3A_258] : memref<32000xf32, #tpu.memory_space<vmem>> -> memref<1000xf32, #tpu.memory_space<vmem>>
        %dma_start3A_260 = tpu.memref_slice %arg2[%dma_start3A_253, %multiple_of3A] : memref<32x1000000xf32, #tpu.memory_space<hbm>> -> memref<1x1000xf32, #tpu.memory_space<hbm>>
        %dma_start3A_261 = tpu.memref_squeeze %dma_start3A_260 : memref<1x1000xf32, #tpu.memory_space<hbm>> -> memref<1000xf32, #tpu.memory_space<hbm>>
        tpu.enqueue_dma source(%dma_start3A_261 : memref<1000xf32, #tpu.memory_space<hbm>>) target(%dma_start3A_259 : memref<1000xf32, #tpu.memory_space<vmem>>) target_semaphore(%arg6 : memref<!tpu.dma_semaphore, #tpu.memory_space<semaphore_mem>>)
        %dma_start3A_262 = arith.constant 27 : i32
        %dma_start3A_263 = arith.constant 27000 : i32
        %dma_start3A_264 = tpu.memref_slice %arg4[%dma_start3A_263] : memref<32000xf32, #tpu.memory_space<vmem>> -> memref<1000xf32, #tpu.memory_space<vmem>>
        %dma_start3A_265 = tpu.memref_slice %arg2[%dma_start3A_262, %multiple_of3A] : memref<32x1000000xf32, #tpu.memory_space<hbm>> -> memref<1x1000xf32, #tpu.memory_space<hbm>>
        %dma_start3A_266 = tpu.memref_squeeze %dma_start3A_265 : memref<1x1000xf32, #tpu.memory_space<hbm>> -> memref<1000xf32, #tpu.memory_space<hbm>>
        %dma_start3A_267 = arith.constant 27000 : i32
        %dma_start3A_268 = tpu.memref_slice %arg4[%dma_start3A_267] : memref<32000xf32, #tpu.memory_space<vmem>> -> memref<1000xf32, #tpu.memory_space<vmem>>
        %dma_start3A_269 = tpu.memref_slice %arg2[%dma_start3A_262, %multiple_of3A] : memref<32x1000000xf32, #tpu.memory_space<hbm>> -> memref<1x1000xf32, #tpu.memory_space<hbm>>
        %dma_start3A_270 = tpu.memref_squeeze %dma_start3A_269 : memref<1x1000xf32, #tpu.memory_space<hbm>> -> memref<1000xf32, #tpu.memory_space<hbm>>
        tpu.enqueue_dma source(%dma_start3A_270 : memref<1000xf32, #tpu.memory_space<hbm>>) target(%dma_start3A_268 : memref<1000xf32, #tpu.memory_space<vmem>>) target_semaphore(%arg6 : memref<!tpu.dma_semaphore, #tpu.memory_space<semaphore_mem>>)
        %dma_start3A_271 = arith.constant 28 : i32
        %dma_start3A_272 = arith.constant 28000 : i32
        %dma_start3A_273 = tpu.memref_slice %arg4[%dma_start3A_272] : memref<32000xf32, #tpu.memory_space<vmem>> -> memref<1000xf32, #tpu.memory_space<vmem>>
        %dma_start3A_274 = tpu.memref_slice %arg2[%dma_start3A_271, %multiple_of3A] : memref<32x1000000xf32, #tpu.memory_space<hbm>> -> memref<1x1000xf32, #tpu.memory_space<hbm>>
        %dma_start3A_275 = tpu.memref_squeeze %dma_start3A_274 : memref<1x1000xf32, #tpu.memory_space<hbm>> -> memref<1000xf32, #tpu.memory_space<hbm>>
        %dma_start3A_276 = arith.constant 28000 : i32
        %dma_start3A_277 = tpu.memref_slice %arg4[%dma_start3A_276] : memref<32000xf32, #tpu.memory_space<vmem>> -> memref<1000xf32, #tpu.memory_space<vmem>>
        %dma_start3A_278 = tpu.memref_slice %arg2[%dma_start3A_271, %multiple_of3A] : memref<32x1000000xf32, #tpu.memory_space<hbm>> -> memref<1x1000xf32, #tpu.memory_space<hbm>>
        %dma_start3A_279 = tpu.memref_squeeze %dma_start3A_278 : memref<1x1000xf32, #tpu.memory_space<hbm>> -> memref<1000xf32, #tpu.memory_space<hbm>>
        tpu.enqueue_dma source(%dma_start3A_279 : memref<1000xf32, #tpu.memory_space<hbm>>) target(%dma_start3A_277 : memref<1000xf32, #tpu.memory_space<vmem>>) target_semaphore(%arg6 : memref<!tpu.dma_semaphore, #tpu.memory_space<semaphore_mem>>)
        %dma_start3A_280 = arith.constant 29 : i32
        %dma_start3A_281 = arith.constant 29000 : i32
        %dma_start3A_282 = tpu.memref_slice %arg4[%dma_start3A_281] : memref<32000xf32, #tpu.memory_space<vmem>> -> memref<1000xf32, #tpu.memory_space<vmem>>
        %dma_start3A_283 = tpu.memref_slice %arg2[%dma_start3A_280, %multiple_of3A] : memref<32x1000000xf32, #tpu.memory_space<hbm>> -> memref<1x1000xf32, #tpu.memory_space<hbm>>
        %dma_start3A_284 = tpu.memref_squeeze %dma_start3A_283 : memref<1x1000xf32, #tpu.memory_space<hbm>> -> memref<1000xf32, #tpu.memory_space<hbm>>
        %dma_start3A_285 = arith.constant 29000 : i32
        %dma_start3A_286 = tpu.memref_slice %arg4[%dma_start3A_285] : memref<32000xf32, #tpu.memory_space<vmem>> -> memref<1000xf32, #tpu.memory_space<vmem>>
        %dma_start3A_287 = tpu.memref_slice %arg2[%dma_start3A_280, %multiple_of3A] : memref<32x1000000xf32, #tpu.memory_space<hbm>> -> memref<1x1000xf32, #tpu.memory_space<hbm>>
        %dma_start3A_288 = tpu.memref_squeeze %dma_start3A_287 : memref<1x1000xf32, #tpu.memory_space<hbm>> -> memref<1000xf32, #tpu.memory_space<hbm>>
        tpu.enqueue_dma source(%dma_start3A_288 : memref<1000xf32, #tpu.memory_space<hbm>>) target(%dma_start3A_286 : memref<1000xf32, #tpu.memory_space<vmem>>) target_semaphore(%arg6 : memref<!tpu.dma_semaphore, #tpu.memory_space<semaphore_mem>>)
        %dma_start3A_289 = arith.constant 30 : i32
        %dma_start3A_290 = arith.constant 30000 : i32
        %dma_start3A_291 = tpu.memref_slice %arg4[%dma_start3A_290] : memref<32000xf32, #tpu.memory_space<vmem>> -> memref<1000xf32, #tpu.memory_space<vmem>>
        %dma_start3A_292 = tpu.memref_slice %arg2[%dma_start3A_289, %multiple_of3A] : memref<32x1000000xf32, #tpu.memory_space<hbm>> -> memref<1x1000xf32, #tpu.memory_space<hbm>>
        %dma_start3A_293 = tpu.memref_squeeze %dma_start3A_292 : memref<1x1000xf32, #tpu.memory_space<hbm>> -> memref<1000xf32, #tpu.memory_space<hbm>>
        %dma_start3A_294 = arith.constant 30000 : i32
        %dma_start3A_295 = tpu.memref_slice %arg4[%dma_start3A_294] : memref<32000xf32, #tpu.memory_space<vmem>> -> memref<1000xf32, #tpu.memory_space<vmem>>
        %dma_start3A_296 = tpu.memref_slice %arg2[%dma_start3A_289, %multiple_of3A] : memref<32x1000000xf32, #tpu.memory_space<hbm>> -> memref<1x1000xf32, #tpu.memory_space<hbm>>
        %dma_start3A_297 = tpu.memref_squeeze %dma_start3A_296 : memref<1x1000xf32, #tpu.memory_space<hbm>> -> memref<1000xf32, #tpu.memory_space<hbm>>
        tpu.enqueue_dma source(%dma_start3A_297 : memref<1000xf32, #tpu.memory_space<hbm>>) target(%dma_start3A_295 : memref<1000xf32, #tpu.memory_space<vmem>>) target_semaphore(%arg6 : memref<!tpu.dma_semaphore, #tpu.memory_space<semaphore_mem>>)
        %dma_start3A_298 = arith.constant 31 : i32
        %dma_start3A_299 = arith.constant 31000 : i32
        %dma_start3A_300 = tpu.memref_slice %arg4[%dma_start3A_299] : memref<32000xf32, #tpu.memory_space<vmem>> -> memref<1000xf32, #tpu.memory_space<vmem>>
        %dma_start3A_301 = tpu.memref_slice %arg2[%dma_start3A_298, %multiple_of3A] : memref<32x1000000xf32, #tpu.memory_space<hbm>> -> memref<1x1000xf32, #tpu.memory_space<hbm>>
        %dma_start3A_302 = tpu.memref_squeeze %dma_start3A_301 : memref<1x1000xf32, #tpu.memory_space<hbm>> -> memref<1000xf32, #tpu.memory_space<hbm>>
        %dma_start3A_303 = arith.constant 31000 : i32
        %dma_start3A_304 = tpu.memref_slice %arg4[%dma_start3A_303] : memref<32000xf32, #tpu.memory_space<vmem>> -> memref<1000xf32, #tpu.memory_space<vmem>>
        %dma_start3A_305 = tpu.memref_slice %arg2[%dma_start3A_298, %multiple_of3A] : memref<32x1000000xf32, #tpu.memory_space<hbm>> -> memref<1x1000xf32, #tpu.memory_space<hbm>>
        %dma_start3A_306 = tpu.memref_squeeze %dma_start3A_305 : memref<1x1000xf32, #tpu.memory_space<hbm>> -> memref<1000xf32, #tpu.memory_space<hbm>>
        tpu.enqueue_dma source(%dma_start3A_306 : memref<1000xf32, #tpu.memory_space<hbm>>) target(%dma_start3A_304 : memref<1000xf32, #tpu.memory_space<vmem>>) target_semaphore(%arg6 : memref<!tpu.dma_semaphore, #tpu.memory_space<semaphore_mem>>)
        %dma_wait3A = arith.constant 0 : i32
        %dma_wait3A_307 = arith.constant 0 : i32
        %dma_wait3A_308 = tpu.memref_slice %arg4[%dma_wait3A_307] : memref<32000xf32, #tpu.memory_space<vmem>> -> memref<1000xf32, #tpu.memory_space<vmem>>
        %dma_wait3A_309 = tpu.memref_slice %arg2[%dma_wait3A, %multiple_of3A] : memref<32x1000000xf32, #tpu.memory_space<hbm>> -> memref<1x1000xf32, #tpu.memory_space<hbm>>
        %dma_wait3A_310 = tpu.memref_squeeze %dma_wait3A_309 : memref<1x1000xf32, #tpu.memory_space<hbm>> -> memref<1000xf32, #tpu.memory_space<hbm>>
        %dma_wait3A_311 = arith.constant 0 : i32
        %dma_wait3A_312 = tpu.memref_slice %arg4[%dma_wait3A_311] : memref<32000xf32, #tpu.memory_space<vmem>> -> memref<1000xf32, #tpu.memory_space<vmem>>
        %dma_wait3A_313 = tpu.memref_slice %arg2[%dma_wait3A, %multiple_of3A] : memref<32x1000000xf32, #tpu.memory_space<hbm>> -> memref<1x1000xf32, #tpu.memory_space<hbm>>
        %dma_wait3A_314 = tpu.memref_squeeze %dma_wait3A_313 : memref<1x1000xf32, #tpu.memory_space<hbm>> -> memref<1000xf32, #tpu.memory_space<hbm>>
        tpu.wait_dma2 semaphore(%arg6 : memref<!tpu.dma_semaphore, #tpu.memory_space<semaphore_mem>>) src(%dma_wait3A_314 : memref<1000xf32, #tpu.memory_space<hbm>>) dst(%dma_wait3A_312 : memref<1000xf32, #tpu.memory_space<vmem>>)
        %dma_wait3A_315 = arith.constant 1 : i32
        %dma_wait3A_316 = arith.constant 1000 : i32
        %dma_wait3A_317 = tpu.memref_slice %arg4[%dma_wait3A_316] : memref<32000xf32, #tpu.memory_space<vmem>> -> memref<1000xf32, #tpu.memory_space<vmem>>
        %dma_wait3A_318 = tpu.memref_slice %arg2[%dma_wait3A_315, %multiple_of3A] : memref<32x1000000xf32, #tpu.memory_space<hbm>> -> memref<1x1000xf32, #tpu.memory_space<hbm>>
        %dma_wait3A_319 = tpu.memref_squeeze %dma_wait3A_318 : memref<1x1000xf32, #tpu.memory_space<hbm>> -> memref<1000xf32, #tpu.memory_space<hbm>>
        %dma_wait3A_320 = arith.constant 1000 : i32
        %dma_wait3A_321 = tpu.memref_slice %arg4[%dma_wait3A_320] : memref<32000xf32, #tpu.memory_space<vmem>> -> memref<1000xf32, #tpu.memory_space<vmem>>
        %dma_wait3A_322 = tpu.memref_slice %arg2[%dma_wait3A_315, %multiple_of3A] : memref<32x1000000xf32, #tpu.memory_space<hbm>> -> memref<1x1000xf32, #tpu.memory_space<hbm>>
        %dma_wait3A_323 = tpu.memref_squeeze %dma_wait3A_322 : memref<1x1000xf32, #tpu.memory_space<hbm>> -> memref<1000xf32, #tpu.memory_space<hbm>>
        tpu.wait_dma2 semaphore(%arg6 : memref<!tpu.dma_semaphore, #tpu.memory_space<semaphore_mem>>) src(%dma_wait3A_323 : memref<1000xf32, #tpu.memory_space<hbm>>) dst(%dma_wait3A_321 : memref<1000xf32, #tpu.memory_space<vmem>>)
        %dma_wait3A_324 = arith.constant 2 : i32
        %dma_wait3A_325 = arith.constant 2000 : i32
        %dma_wait3A_326 = tpu.memref_slice %arg4[%dma_wait3A_325] : memref<32000xf32, #tpu.memory_space<vmem>> -> memref<1000xf32, #tpu.memory_space<vmem>>
        %dma_wait3A_327 = tpu.memref_slice %arg2[%dma_wait3A_324, %multiple_of3A] : memref<32x1000000xf32, #tpu.memory_space<hbm>> -> memref<1x1000xf32, #tpu.memory_space<hbm>>
        %dma_wait3A_328 = tpu.memref_squeeze %dma_wait3A_327 : memref<1x1000xf32, #tpu.memory_space<hbm>> -> memref<1000xf32, #tpu.memory_space<hbm>>
        %dma_wait3A_329 = arith.constant 2000 : i32
        %dma_wait3A_330 = tpu.memref_slice %arg4[%dma_wait3A_329] : memref<32000xf32, #tpu.memory_space<vmem>> -> memref<1000xf32, #tpu.memory_space<vmem>>
        %dma_wait3A_331 = tpu.memref_slice %arg2[%dma_wait3A_324, %multiple_of3A] : memref<32x1000000xf32, #tpu.memory_space<hbm>> -> memref<1x1000xf32, #tpu.memory_space<hbm>>
        %dma_wait3A_332 = tpu.memref_squeeze %dma_wait3A_331 : memref<1x1000xf32, #tpu.memory_space<hbm>> -> memref<1000xf32, #tpu.memory_space<hbm>>
        tpu.wait_dma2 semaphore(%arg6 : memref<!tpu.dma_semaphore, #tpu.memory_space<semaphore_mem>>) src(%dma_wait3A_332 : memref<1000xf32, #tpu.memory_space<hbm>>) dst(%dma_wait3A_330 : memref<1000xf32, #tpu.memory_space<vmem>>)
        %dma_wait3A_333 = arith.constant 3 : i32
        %dma_wait3A_334 = arith.constant 3000 : i32
        %dma_wait3A_335 = tpu.memref_slice %arg4[%dma_wait3A_334] : memref<32000xf32, #tpu.memory_space<vmem>> -> memref<1000xf32, #tpu.memory_space<vmem>>
        %dma_wait3A_336 = tpu.memref_slice %arg2[%dma_wait3A_333, %multiple_of3A] : memref<32x1000000xf32, #tpu.memory_space<hbm>> -> memref<1x1000xf32, #tpu.memory_space<hbm>>
        %dma_wait3A_337 = tpu.memref_squeeze %dma_wait3A_336 : memref<1x1000xf32, #tpu.memory_space<hbm>> -> memref<1000xf32, #tpu.memory_space<hbm>>
        %dma_wait3A_338 = arith.constant 3000 : i32
        %dma_wait3A_339 = tpu.memref_slice %arg4[%dma_wait3A_338] : memref<32000xf32, #tpu.memory_space<vmem>> -> memref<1000xf32, #tpu.memory_space<vmem>>
        %dma_wait3A_340 = tpu.memref_slice %arg2[%dma_wait3A_333, %multiple_of3A] : memref<32x1000000xf32, #tpu.memory_space<hbm>> -> memref<1x1000xf32, #tpu.memory_space<hbm>>
        %dma_wait3A_341 = tpu.memref_squeeze %dma_wait3A_340 : memref<1x1000xf32, #tpu.memory_space<hbm>> -> memref<1000xf32, #tpu.memory_space<hbm>>
        tpu.wait_dma2 semaphore(%arg6 : memref<!tpu.dma_semaphore, #tpu.memory_space<semaphore_mem>>) src(%dma_wait3A_341 : memref<1000xf32, #tpu.memory_space<hbm>>) dst(%dma_wait3A_339 : memref<1000xf32, #tpu.memory_space<vmem>>)
        %dma_wait3A_342 = arith.constant 4 : i32
        %dma_wait3A_343 = arith.constant 4000 : i32
        %dma_wait3A_344 = tpu.memref_slice %arg4[%dma_wait3A_343] : memref<32000xf32, #tpu.memory_space<vmem>> -> memref<1000xf32, #tpu.memory_space<vmem>>
        %dma_wait3A_345 = tpu.memref_slice %arg2[%dma_wait3A_342, %multiple_of3A] : memref<32x1000000xf32, #tpu.memory_space<hbm>> -> memref<1x1000xf32, #tpu.memory_space<hbm>>
        %dma_wait3A_346 = tpu.memref_squeeze %dma_wait3A_345 : memref<1x1000xf32, #tpu.memory_space<hbm>> -> memref<1000xf32, #tpu.memory_space<hbm>>
        %dma_wait3A_347 = arith.constant 4000 : i32
        %dma_wait3A_348 = tpu.memref_slice %arg4[%dma_wait3A_347] : memref<32000xf32, #tpu.memory_space<vmem>> -> memref<1000xf32, #tpu.memory_space<vmem>>
        %dma_wait3A_349 = tpu.memref_slice %arg2[%dma_wait3A_342, %multiple_of3A] : memref<32x1000000xf32, #tpu.memory_space<hbm>> -> memref<1x1000xf32, #tpu.memory_space<hbm>>
        %dma_wait3A_350 = tpu.memref_squeeze %dma_wait3A_349 : memref<1x1000xf32, #tpu.memory_space<hbm>> -> memref<1000xf32, #tpu.memory_space<hbm>>
        tpu.wait_dma2 semaphore(%arg6 : memref<!tpu.dma_semaphore, #tpu.memory_space<semaphore_mem>>) src(%dma_wait3A_350 : memref<1000xf32, #tpu.memory_space<hbm>>) dst(%dma_wait3A_348 : memref<1000xf32, #tpu.memory_space<vmem>>)
        %dma_wait3A_351 = arith.constant 5 : i32
        %dma_wait3A_352 = arith.constant 5000 : i32
        %dma_wait3A_353 = tpu.memref_slice %arg4[%dma_wait3A_352] : memref<32000xf32, #tpu.memory_space<vmem>> -> memref<1000xf32, #tpu.memory_space<vmem>>
        %dma_wait3A_354 = tpu.memref_slice %arg2[%dma_wait3A_351, %multiple_of3A] : memref<32x1000000xf32, #tpu.memory_space<hbm>> -> memref<1x1000xf32, #tpu.memory_space<hbm>>
        %dma_wait3A_355 = tpu.memref_squeeze %dma_wait3A_354 : memref<1x1000xf32, #tpu.memory_space<hbm>> -> memref<1000xf32, #tpu.memory_space<hbm>>
        %dma_wait3A_356 = arith.constant 5000 : i32
        %dma_wait3A_357 = tpu.memref_slice %arg4[%dma_wait3A_356] : memref<32000xf32, #tpu.memory_space<vmem>> -> memref<1000xf32, #tpu.memory_space<vmem>>
        %dma_wait3A_358 = tpu.memref_slice %arg2[%dma_wait3A_351, %multiple_of3A] : memref<32x1000000xf32, #tpu.memory_space<hbm>> -> memref<1x1000xf32, #tpu.memory_space<hbm>>
        %dma_wait3A_359 = tpu.memref_squeeze %dma_wait3A_358 : memref<1x1000xf32, #tpu.memory_space<hbm>> -> memref<1000xf32, #tpu.memory_space<hbm>>
        tpu.wait_dma2 semaphore(%arg6 : memref<!tpu.dma_semaphore, #tpu.memory_space<semaphore_mem>>) src(%dma_wait3A_359 : memref<1000xf32, #tpu.memory_space<hbm>>) dst(%dma_wait3A_357 : memref<1000xf32, #tpu.memory_space<vmem>>)
        %dma_wait3A_360 = arith.constant 6 : i32
        %dma_wait3A_361 = arith.constant 6000 : i32
        %dma_wait3A_362 = tpu.memref_slice %arg4[%dma_wait3A_361] : memref<32000xf32, #tpu.memory_space<vmem>> -> memref<1000xf32, #tpu.memory_space<vmem>>
        %dma_wait3A_363 = tpu.memref_slice %arg2[%dma_wait3A_360, %multiple_of3A] : memref<32x1000000xf32, #tpu.memory_space<hbm>> -> memref<1x1000xf32, #tpu.memory_space<hbm>>
        %dma_wait3A_364 = tpu.memref_squeeze %dma_wait3A_363 : memref<1x1000xf32, #tpu.memory_space<hbm>> -> memref<1000xf32, #tpu.memory_space<hbm>>
        %dma_wait3A_365 = arith.constant 6000 : i32
        %dma_wait3A_366 = tpu.memref_slice %arg4[%dma_wait3A_365] : memref<32000xf32, #tpu.memory_space<vmem>> -> memref<1000xf32, #tpu.memory_space<vmem>>
        %dma_wait3A_367 = tpu.memref_slice %arg2[%dma_wait3A_360, %multiple_of3A] : memref<32x1000000xf32, #tpu.memory_space<hbm>> -> memref<1x1000xf32, #tpu.memory_space<hbm>>
        %dma_wait3A_368 = tpu.memref_squeeze %dma_wait3A_367 : memref<1x1000xf32, #tpu.memory_space<hbm>> -> memref<1000xf32, #tpu.memory_space<hbm>>
        tpu.wait_dma2 semaphore(%arg6 : memref<!tpu.dma_semaphore, #tpu.memory_space<semaphore_mem>>) src(%dma_wait3A_368 : memref<1000xf32, #tpu.memory_space<hbm>>) dst(%dma_wait3A_366 : memref<1000xf32, #tpu.memory_space<vmem>>)
        %dma_wait3A_369 = arith.constant 7 : i32
        %dma_wait3A_370 = arith.constant 7000 : i32
        %dma_wait3A_371 = tpu.memref_slice %arg4[%dma_wait3A_370] : memref<32000xf32, #tpu.memory_space<vmem>> -> memref<1000xf32, #tpu.memory_space<vmem>>
        %dma_wait3A_372 = tpu.memref_slice %arg2[%dma_wait3A_369, %multiple_of3A] : memref<32x1000000xf32, #tpu.memory_space<hbm>> -> memref<1x1000xf32, #tpu.memory_space<hbm>>
        %dma_wait3A_373 = tpu.memref_squeeze %dma_wait3A_372 : memref<1x1000xf32, #tpu.memory_space<hbm>> -> memref<1000xf32, #tpu.memory_space<hbm>>
        %dma_wait3A_374 = arith.constant 7000 : i32
        %dma_wait3A_375 = tpu.memref_slice %arg4[%dma_wait3A_374] : memref<32000xf32, #tpu.memory_space<vmem>> -> memref<1000xf32, #tpu.memory_space<vmem>>
        %dma_wait3A_376 = tpu.memref_slice %arg2[%dma_wait3A_369, %multiple_of3A] : memref<32x1000000xf32, #tpu.memory_space<hbm>> -> memref<1x1000xf32, #tpu.memory_space<hbm>>
        %dma_wait3A_377 = tpu.memref_squeeze %dma_wait3A_376 : memref<1x1000xf32, #tpu.memory_space<hbm>> -> memref<1000xf32, #tpu.memory_space<hbm>>
        tpu.wait_dma2 semaphore(%arg6 : memref<!tpu.dma_semaphore, #tpu.memory_space<semaphore_mem>>) src(%dma_wait3A_377 : memref<1000xf32, #tpu.memory_space<hbm>>) dst(%dma_wait3A_375 : memref<1000xf32, #tpu.memory_space<vmem>>)
        %dma_wait3A_378 = arith.constant 8 : i32
        %dma_wait3A_379 = arith.constant 8000 : i32
        %dma_wait3A_380 = tpu.memref_slice %arg4[%dma_wait3A_379] : memref<32000xf32, #tpu.memory_space<vmem>> -> memref<1000xf32, #tpu.memory_space<vmem>>
        %dma_wait3A_381 = tpu.memref_slice %arg2[%dma_wait3A_378, %multiple_of3A] : memref<32x1000000xf32, #tpu.memory_space<hbm>> -> memref<1x1000xf32, #tpu.memory_space<hbm>>
        %dma_wait3A_382 = tpu.memref_squeeze %dma_wait3A_381 : memref<1x1000xf32, #tpu.memory_space<hbm>> -> memref<1000xf32, #tpu.memory_space<hbm>>
        %dma_wait3A_383 = arith.constant 8000 : i32
        %dma_wait3A_384 = tpu.memref_slice %arg4[%dma_wait3A_383] : memref<32000xf32, #tpu.memory_space<vmem>> -> memref<1000xf32, #tpu.memory_space<vmem>>
        %dma_wait3A_385 = tpu.memref_slice %arg2[%dma_wait3A_378, %multiple_of3A] : memref<32x1000000xf32, #tpu.memory_space<hbm>> -> memref<1x1000xf32, #tpu.memory_space<hbm>>
        %dma_wait3A_386 = tpu.memref_squeeze %dma_wait3A_385 : memref<1x1000xf32, #tpu.memory_space<hbm>> -> memref<1000xf32, #tpu.memory_space<hbm>>
        tpu.wait_dma2 semaphore(%arg6 : memref<!tpu.dma_semaphore, #tpu.memory_space<semaphore_mem>>) src(%dma_wait3A_386 : memref<1000xf32, #tpu.memory_space<hbm>>) dst(%dma_wait3A_384 : memref<1000xf32, #tpu.memory_space<vmem>>)
        %dma_wait3A_387 = arith.constant 9 : i32
        %dma_wait3A_388 = arith.constant 9000 : i32
        %dma_wait3A_389 = tpu.memref_slice %arg4[%dma_wait3A_388] : memref<32000xf32, #tpu.memory_space<vmem>> -> memref<1000xf32, #tpu.memory_space<vmem>>
        %dma_wait3A_390 = tpu.memref_slice %arg2[%dma_wait3A_387, %multiple_of3A] : memref<32x1000000xf32, #tpu.memory_space<hbm>> -> memref<1x1000xf32, #tpu.memory_space<hbm>>
        %dma_wait3A_391 = tpu.memref_squeeze %dma_wait3A_390 : memref<1x1000xf32, #tpu.memory_space<hbm>> -> memref<1000xf32, #tpu.memory_space<hbm>>
        %dma_wait3A_392 = arith.constant 9000 : i32
        %dma_wait3A_393 = tpu.memref_slice %arg4[%dma_wait3A_392] : memref<32000xf32, #tpu.memory_space<vmem>> -> memref<1000xf32, #tpu.memory_space<vmem>>
        %dma_wait3A_394 = tpu.memref_slice %arg2[%dma_wait3A_387, %multiple_of3A] : memref<32x1000000xf32, #tpu.memory_space<hbm>> -> memref<1x1000xf32, #tpu.memory_space<hbm>>
        %dma_wait3A_395 = tpu.memref_squeeze %dma_wait3A_394 : memref<1x1000xf32, #tpu.memory_space<hbm>> -> memref<1000xf32, #tpu.memory_space<hbm>>
        tpu.wait_dma2 semaphore(%arg6 : memref<!tpu.dma_semaphore, #tpu.memory_space<semaphore_mem>>) src(%dma_wait3A_395 : memref<1000xf32, #tpu.memory_space<hbm>>) dst(%dma_wait3A_393 : memref<1000xf32, #tpu.memory_space<vmem>>)
        %dma_wait3A_396 = arith.constant 10 : i32
        %dma_wait3A_397 = arith.constant 10000 : i32
        %dma_wait3A_398 = tpu.memref_slice %arg4[%dma_wait3A_397] : memref<32000xf32, #tpu.memory_space<vmem>> -> memref<1000xf32, #tpu.memory_space<vmem>>
        %dma_wait3A_399 = tpu.memref_slice %arg2[%dma_wait3A_396, %multiple_of3A] : memref<32x1000000xf32, #tpu.memory_space<hbm>> -> memref<1x1000xf32, #tpu.memory_space<hbm>>
        %dma_wait3A_400 = tpu.memref_squeeze %dma_wait3A_399 : memref<1x1000xf32, #tpu.memory_space<hbm>> -> memref<1000xf32, #tpu.memory_space<hbm>>
        %dma_wait3A_401 = arith.constant 10000 : i32
        %dma_wait3A_402 = tpu.memref_slice %arg4[%dma_wait3A_401] : memref<32000xf32, #tpu.memory_space<vmem>> -> memref<1000xf32, #tpu.memory_space<vmem>>
        %dma_wait3A_403 = tpu.memref_slice %arg2[%dma_wait3A_396, %multiple_of3A] : memref<32x1000000xf32, #tpu.memory_space<hbm>> -> memref<1x1000xf32, #tpu.memory_space<hbm>>
        %dma_wait3A_404 = tpu.memref_squeeze %dma_wait3A_403 : memref<1x1000xf32, #tpu.memory_space<hbm>> -> memref<1000xf32, #tpu.memory_space<hbm>>
        tpu.wait_dma2 semaphore(%arg6 : memref<!tpu.dma_semaphore, #tpu.memory_space<semaphore_mem>>) src(%dma_wait3A_404 : memref<1000xf32, #tpu.memory_space<hbm>>) dst(%dma_wait3A_402 : memref<1000xf32, #tpu.memory_space<vmem>>)
        %dma_wait3A_405 = arith.constant 11 : i32
        %dma_wait3A_406 = arith.constant 11000 : i32
        %dma_wait3A_407 = tpu.memref_slice %arg4[%dma_wait3A_406] : memref<32000xf32, #tpu.memory_space<vmem>> -> memref<1000xf32, #tpu.memory_space<vmem>>
        %dma_wait3A_408 = tpu.memref_slice %arg2[%dma_wait3A_405, %multiple_of3A] : memref<32x1000000xf32, #tpu.memory_space<hbm>> -> memref<1x1000xf32, #tpu.memory_space<hbm>>
        %dma_wait3A_409 = tpu.memref_squeeze %dma_wait3A_408 : memref<1x1000xf32, #tpu.memory_space<hbm>> -> memref<1000xf32, #tpu.memory_space<hbm>>
        %dma_wait3A_410 = arith.constant 11000 : i32
        %dma_wait3A_411 = tpu.memref_slice %arg4[%dma_wait3A_410] : memref<32000xf32, #tpu.memory_space<vmem>> -> memref<1000xf32, #tpu.memory_space<vmem>>
        %dma_wait3A_412 = tpu.memref_slice %arg2[%dma_wait3A_405, %multiple_of3A] : memref<32x1000000xf32, #tpu.memory_space<hbm>> -> memref<1x1000xf32, #tpu.memory_space<hbm>>
        %dma_wait3A_413 = tpu.memref_squeeze %dma_wait3A_412 : memref<1x1000xf32, #tpu.memory_space<hbm>> -> memref<1000xf32, #tpu.memory_space<hbm>>
        tpu.wait_dma2 semaphore(%arg6 : memref<!tpu.dma_semaphore, #tpu.memory_space<semaphore_mem>>) src(%dma_wait3A_413 : memref<1000xf32, #tpu.memory_space<hbm>>) dst(%dma_wait3A_411 : memref<1000xf32, #tpu.memory_space<vmem>>)
        %dma_wait3A_414 = arith.constant 12 : i32
        %dma_wait3A_415 = arith.constant 12000 : i32
        %dma_wait3A_416 = tpu.memref_slice %arg4[%dma_wait3A_415] : memref<32000xf32, #tpu.memory_space<vmem>> -> memref<1000xf32, #tpu.memory_space<vmem>>
        %dma_wait3A_417 = tpu.memref_slice %arg2[%dma_wait3A_414, %multiple_of3A] : memref<32x1000000xf32, #tpu.memory_space<hbm>> -> memref<1x1000xf32, #tpu.memory_space<hbm>>
        %dma_wait3A_418 = tpu.memref_squeeze %dma_wait3A_417 : memref<1x1000xf32, #tpu.memory_space<hbm>> -> memref<1000xf32, #tpu.memory_space<hbm>>
        %dma_wait3A_419 = arith.constant 12000 : i32
        %dma_wait3A_420 = tpu.memref_slice %arg4[%dma_wait3A_419] : memref<32000xf32, #tpu.memory_space<vmem>> -> memref<1000xf32, #tpu.memory_space<vmem>>
        %dma_wait3A_421 = tpu.memref_slice %arg2[%dma_wait3A_414, %multiple_of3A] : memref<32x1000000xf32, #tpu.memory_space<hbm>> -> memref<1x1000xf32, #tpu.memory_space<hbm>>
        %dma_wait3A_422 = tpu.memref_squeeze %dma_wait3A_421 : memref<1x1000xf32, #tpu.memory_space<hbm>> -> memref<1000xf32, #tpu.memory_space<hbm>>
        tpu.wait_dma2 semaphore(%arg6 : memref<!tpu.dma_semaphore, #tpu.memory_space<semaphore_mem>>) src(%dma_wait3A_422 : memref<1000xf32, #tpu.memory_space<hbm>>) dst(%dma_wait3A_420 : memref<1000xf32, #tpu.memory_space<vmem>>)
        %dma_wait3A_423 = arith.constant 13 : i32
        %dma_wait3A_424 = arith.constant 13000 : i32
        %dma_wait3A_425 = tpu.memref_slice %arg4[%dma_wait3A_424] : memref<32000xf32, #tpu.memory_space<vmem>> -> memref<1000xf32, #tpu.memory_space<vmem>>
        %dma_wait3A_426 = tpu.memref_slice %arg2[%dma_wait3A_423, %multiple_of3A] : memref<32x1000000xf32, #tpu.memory_space<hbm>> -> memref<1x1000xf32, #tpu.memory_space<hbm>>
        %dma_wait3A_427 = tpu.memref_squeeze %dma_wait3A_426 : memref<1x1000xf32, #tpu.memory_space<hbm>> -> memref<1000xf32, #tpu.memory_space<hbm>>
        %dma_wait3A_428 = arith.constant 13000 : i32
        %dma_wait3A_429 = tpu.memref_slice %arg4[%dma_wait3A_428] : memref<32000xf32, #tpu.memory_space<vmem>> -> memref<1000xf32, #tpu.memory_space<vmem>>
        %dma_wait3A_430 = tpu.memref_slice %arg2[%dma_wait3A_423, %multiple_of3A] : memref<32x1000000xf32, #tpu.memory_space<hbm>> -> memref<1x1000xf32, #tpu.memory_space<hbm>>
        %dma_wait3A_431 = tpu.memref_squeeze %dma_wait3A_430 : memref<1x1000xf32, #tpu.memory_space<hbm>> -> memref<1000xf32, #tpu.memory_space<hbm>>
        tpu.wait_dma2 semaphore(%arg6 : memref<!tpu.dma_semaphore, #tpu.memory_space<semaphore_mem>>) src(%dma_wait3A_431 : memref<1000xf32, #tpu.memory_space<hbm>>) dst(%dma_wait3A_429 : memref<1000xf32, #tpu.memory_space<vmem>>)
        %dma_wait3A_432 = arith.constant 14 : i32
        %dma_wait3A_433 = arith.constant 14000 : i32
        %dma_wait3A_434 = tpu.memref_slice %arg4[%dma_wait3A_433] : memref<32000xf32, #tpu.memory_space<vmem>> -> memref<1000xf32, #tpu.memory_space<vmem>>
        %dma_wait3A_435 = tpu.memref_slice %arg2[%dma_wait3A_432, %multiple_of3A] : memref<32x1000000xf32, #tpu.memory_space<hbm>> -> memref<1x1000xf32, #tpu.memory_space<hbm>>
        %dma_wait3A_436 = tpu.memref_squeeze %dma_wait3A_435 : memref<1x1000xf32, #tpu.memory_space<hbm>> -> memref<1000xf32, #tpu.memory_space<hbm>>
        %dma_wait3A_437 = arith.constant 14000 : i32
        %dma_wait3A_438 = tpu.memref_slice %arg4[%dma_wait3A_437] : memref<32000xf32, #tpu.memory_space<vmem>> -> memref<1000xf32, #tpu.memory_space<vmem>>
        %dma_wait3A_439 = tpu.memref_slice %arg2[%dma_wait3A_432, %multiple_of3A] : memref<32x1000000xf32, #tpu.memory_space<hbm>> -> memref<1x1000xf32, #tpu.memory_space<hbm>>
        %dma_wait3A_440 = tpu.memref_squeeze %dma_wait3A_439 : memref<1x1000xf32, #tpu.memory_space<hbm>> -> memref<1000xf32, #tpu.memory_space<hbm>>
        tpu.wait_dma2 semaphore(%arg6 : memref<!tpu.dma_semaphore, #tpu.memory_space<semaphore_mem>>) src(%dma_wait3A_440 : memref<1000xf32, #tpu.memory_space<hbm>>) dst(%dma_wait3A_438 : memref<1000xf32, #tpu.memory_space<vmem>>)
        %dma_wait3A_441 = arith.constant 15 : i32
        %dma_wait3A_442 = arith.constant 15000 : i32
        %dma_wait3A_443 = tpu.memref_slice %arg4[%dma_wait3A_442] : memref<32000xf32, #tpu.memory_space<vmem>> -> memref<1000xf32, #tpu.memory_space<vmem>>
        %dma_wait3A_444 = tpu.memref_slice %arg2[%dma_wait3A_441, %multiple_of3A] : memref<32x1000000xf32, #tpu.memory_space<hbm>> -> memref<1x1000xf32, #tpu.memory_space<hbm>>
        %dma_wait3A_445 = tpu.memref_squeeze %dma_wait3A_444 : memref<1x1000xf32, #tpu.memory_space<hbm>> -> memref<1000xf32, #tpu.memory_space<hbm>>
        %dma_wait3A_446 = arith.constant 15000 : i32
        %dma_wait3A_447 = tpu.memref_slice %arg4[%dma_wait3A_446] : memref<32000xf32, #tpu.memory_space<vmem>> -> memref<1000xf32, #tpu.memory_space<vmem>>
        %dma_wait3A_448 = tpu.memref_slice %arg2[%dma_wait3A_441, %multiple_of3A] : memref<32x1000000xf32, #tpu.memory_space<hbm>> -> memref<1x1000xf32, #tpu.memory_space<hbm>>
        %dma_wait3A_449 = tpu.memref_squeeze %dma_wait3A_448 : memref<1x1000xf32, #tpu.memory_space<hbm>> -> memref<1000xf32, #tpu.memory_space<hbm>>
        tpu.wait_dma2 semaphore(%arg6 : memref<!tpu.dma_semaphore, #tpu.memory_space<semaphore_mem>>) src(%dma_wait3A_449 : memref<1000xf32, #tpu.memory_space<hbm>>) dst(%dma_wait3A_447 : memref<1000xf32, #tpu.memory_space<vmem>>)
        %dma_wait3A_450 = arith.constant 16 : i32
        %dma_wait3A_451 = arith.constant 16000 : i32
        %dma_wait3A_452 = tpu.memref_slice %arg4[%dma_wait3A_451] : memref<32000xf32, #tpu.memory_space<vmem>> -> memref<1000xf32, #tpu.memory_space<vmem>>
        %dma_wait3A_453 = tpu.memref_slice %arg2[%dma_wait3A_450, %multiple_of3A] : memref<32x1000000xf32, #tpu.memory_space<hbm>> -> memref<1x1000xf32, #tpu.memory_space<hbm>>
        %dma_wait3A_454 = tpu.memref_squeeze %dma_wait3A_453 : memref<1x1000xf32, #tpu.memory_space<hbm>> -> memref<1000xf32, #tpu.memory_space<hbm>>
        %dma_wait3A_455 = arith.constant 16000 : i32
        %dma_wait3A_456 = tpu.memref_slice %arg4[%dma_wait3A_455] : memref<32000xf32, #tpu.memory_space<vmem>> -> memref<1000xf32, #tpu.memory_space<vmem>>
        %dma_wait3A_457 = tpu.memref_slice %arg2[%dma_wait3A_450, %multiple_of3A] : memref<32x1000000xf32, #tpu.memory_space<hbm>> -> memref<1x1000xf32, #tpu.memory_space<hbm>>
        %dma_wait3A_458 = tpu.memref_squeeze %dma_wait3A_457 : memref<1x1000xf32, #tpu.memory_space<hbm>> -> memref<1000xf32, #tpu.memory_space<hbm>>
        tpu.wait_dma2 semaphore(%arg6 : memref<!tpu.dma_semaphore, #tpu.memory_space<semaphore_mem>>) src(%dma_wait3A_458 : memref<1000xf32, #tpu.memory_space<hbm>>) dst(%dma_wait3A_456 : memref<1000xf32, #tpu.memory_space<vmem>>)
        %dma_wait3A_459 = arith.constant 17 : i32
        %dma_wait3A_460 = arith.constant 17000 : i32
        %dma_wait3A_461 = tpu.memref_slice %arg4[%dma_wait3A_460] : memref<32000xf32, #tpu.memory_space<vmem>> -> memref<1000xf32, #tpu.memory_space<vmem>>
        %dma_wait3A_462 = tpu.memref_slice %arg2[%dma_wait3A_459, %multiple_of3A] : memref<32x1000000xf32, #tpu.memory_space<hbm>> -> memref<1x1000xf32, #tpu.memory_space<hbm>>
        %dma_wait3A_463 = tpu.memref_squeeze %dma_wait3A_462 : memref<1x1000xf32, #tpu.memory_space<hbm>> -> memref<1000xf32, #tpu.memory_space<hbm>>
        %dma_wait3A_464 = arith.constant 17000 : i32
        %dma_wait3A_465 = tpu.memref_slice %arg4[%dma_wait3A_464] : memref<32000xf32, #tpu.memory_space<vmem>> -> memref<1000xf32, #tpu.memory_space<vmem>>
        %dma_wait3A_466 = tpu.memref_slice %arg2[%dma_wait3A_459, %multiple_of3A] : memref<32x1000000xf32, #tpu.memory_space<hbm>> -> memref<1x1000xf32, #tpu.memory_space<hbm>>
        %dma_wait3A_467 = tpu.memref_squeeze %dma_wait3A_466 : memref<1x1000xf32, #tpu.memory_space<hbm>> -> memref<1000xf32, #tpu.memory_space<hbm>>
        tpu.wait_dma2 semaphore(%arg6 : memref<!tpu.dma_semaphore, #tpu.memory_space<semaphore_mem>>) src(%dma_wait3A_467 : memref<1000xf32, #tpu.memory_space<hbm>>) dst(%dma_wait3A_465 : memref<1000xf32, #tpu.memory_space<vmem>>)
        %dma_wait3A_468 = arith.constant 18 : i32
        %dma_wait3A_469 = arith.constant 18000 : i32
        %dma_wait3A_470 = tpu.memref_slice %arg4[%dma_wait3A_469] : memref<32000xf32, #tpu.memory_space<vmem>> -> memref<1000xf32, #tpu.memory_space<vmem>>
        %dma_wait3A_471 = tpu.memref_slice %arg2[%dma_wait3A_468, %multiple_of3A] : memref<32x1000000xf32, #tpu.memory_space<hbm>> -> memref<1x1000xf32, #tpu.memory_space<hbm>>
        %dma_wait3A_472 = tpu.memref_squeeze %dma_wait3A_471 : memref<1x1000xf32, #tpu.memory_space<hbm>> -> memref<1000xf32, #tpu.memory_space<hbm>>
        %dma_wait3A_473 = arith.constant 18000 : i32
        %dma_wait3A_474 = tpu.memref_slice %arg4[%dma_wait3A_473] : memref<32000xf32, #tpu.memory_space<vmem>> -> memref<1000xf32, #tpu.memory_space<vmem>>
        %dma_wait3A_475 = tpu.memref_slice %arg2[%dma_wait3A_468, %multiple_of3A] : memref<32x1000000xf32, #tpu.memory_space<hbm>> -> memref<1x1000xf32, #tpu.memory_space<hbm>>
        %dma_wait3A_476 = tpu.memref_squeeze %dma_wait3A_475 : memref<1x1000xf32, #tpu.memory_space<hbm>> -> memref<1000xf32, #tpu.memory_space<hbm>>
        tpu.wait_dma2 semaphore(%arg6 : memref<!tpu.dma_semaphore, #tpu.memory_space<semaphore_mem>>) src(%dma_wait3A_476 : memref<1000xf32, #tpu.memory_space<hbm>>) dst(%dma_wait3A_474 : memref<1000xf32, #tpu.memory_space<vmem>>)
        %dma_wait3A_477 = arith.constant 19 : i32
        %dma_wait3A_478 = arith.constant 19000 : i32
        %dma_wait3A_479 = tpu.memref_slice %arg4[%dma_wait3A_478] : memref<32000xf32, #tpu.memory_space<vmem>> -> memref<1000xf32, #tpu.memory_space<vmem>>
        %dma_wait3A_480 = tpu.memref_slice %arg2[%dma_wait3A_477, %multiple_of3A] : memref<32x1000000xf32, #tpu.memory_space<hbm>> -> memref<1x1000xf32, #tpu.memory_space<hbm>>
        %dma_wait3A_481 = tpu.memref_squeeze %dma_wait3A_480 : memref<1x1000xf32, #tpu.memory_space<hbm>> -> memref<1000xf32, #tpu.memory_space<hbm>>
        %dma_wait3A_482 = arith.constant 19000 : i32
        %dma_wait3A_483 = tpu.memref_slice %arg4[%dma_wait3A_482] : memref<32000xf32, #tpu.memory_space<vmem>> -> memref<1000xf32, #tpu.memory_space<vmem>>
        %dma_wait3A_484 = tpu.memref_slice %arg2[%dma_wait3A_477, %multiple_of3A] : memref<32x1000000xf32, #tpu.memory_space<hbm>> -> memref<1x1000xf32, #tpu.memory_space<hbm>>
        %dma_wait3A_485 = tpu.memref_squeeze %dma_wait3A_484 : memref<1x1000xf32, #tpu.memory_space<hbm>> -> memref<1000xf32, #tpu.memory_space<hbm>>
        tpu.wait_dma2 semaphore(%arg6 : memref<!tpu.dma_semaphore, #tpu.memory_space<semaphore_mem>>) src(%dma_wait3A_485 : memref<1000xf32, #tpu.memory_space<hbm>>) dst(%dma_wait3A_483 : memref<1000xf32, #tpu.memory_space<vmem>>)
        %dma_wait3A_486 = arith.constant 20 : i32
        %dma_wait3A_487 = arith.constant 20000 : i32
        %dma_wait3A_488 = tpu.memref_slice %arg4[%dma_wait3A_487] : memref<32000xf32, #tpu.memory_space<vmem>> -> memref<1000xf32, #tpu.memory_space<vmem>>
        %dma_wait3A_489 = tpu.memref_slice %arg2[%dma_wait3A_486, %multiple_of3A] : memref<32x1000000xf32, #tpu.memory_space<hbm>> -> memref<1x1000xf32, #tpu.memory_space<hbm>>
        %dma_wait3A_490 = tpu.memref_squeeze %dma_wait3A_489 : memref<1x1000xf32, #tpu.memory_space<hbm>> -> memref<1000xf32, #tpu.memory_space<hbm>>
        %dma_wait3A_491 = arith.constant 20000 : i32
        %dma_wait3A_492 = tpu.memref_slice %arg4[%dma_wait3A_491] : memref<32000xf32, #tpu.memory_space<vmem>> -> memref<1000xf32, #tpu.memory_space<vmem>>
        %dma_wait3A_493 = tpu.memref_slice %arg2[%dma_wait3A_486, %multiple_of3A] : memref<32x1000000xf32, #tpu.memory_space<hbm>> -> memref<1x1000xf32, #tpu.memory_space<hbm>>
        %dma_wait3A_494 = tpu.memref_squeeze %dma_wait3A_493 : memref<1x1000xf32, #tpu.memory_space<hbm>> -> memref<1000xf32, #tpu.memory_space<hbm>>
        tpu.wait_dma2 semaphore(%arg6 : memref<!tpu.dma_semaphore, #tpu.memory_space<semaphore_mem>>) src(%dma_wait3A_494 : memref<1000xf32, #tpu.memory_space<hbm>>) dst(%dma_wait3A_492 : memref<1000xf32, #tpu.memory_space<vmem>>)
        %dma_wait3A_495 = arith.constant 21 : i32
        %dma_wait3A_496 = arith.constant 21000 : i32
        %dma_wait3A_497 = tpu.memref_slice %arg4[%dma_wait3A_496] : memref<32000xf32, #tpu.memory_space<vmem>> -> memref<1000xf32, #tpu.memory_space<vmem>>
        %dma_wait3A_498 = tpu.memref_slice %arg2[%dma_wait3A_495, %multiple_of3A] : memref<32x1000000xf32, #tpu.memory_space<hbm>> -> memref<1x1000xf32, #tpu.memory_space<hbm>>
        %dma_wait3A_499 = tpu.memref_squeeze %dma_wait3A_498 : memref<1x1000xf32, #tpu.memory_space<hbm>> -> memref<1000xf32, #tpu.memory_space<hbm>>
        %dma_wait3A_500 = arith.constant 21000 : i32
        %dma_wait3A_501 = tpu.memref_slice %arg4[%dma_wait3A_500] : memref<32000xf32, #tpu.memory_space<vmem>> -> memref<1000xf32, #tpu.memory_space<vmem>>
        %dma_wait3A_502 = tpu.memref_slice %arg2[%dma_wait3A_495, %multiple_of3A] : memref<32x1000000xf32, #tpu.memory_space<hbm>> -> memref<1x1000xf32, #tpu.memory_space<hbm>>
        %dma_wait3A_503 = tpu.memref_squeeze %dma_wait3A_502 : memref<1x1000xf32, #tpu.memory_space<hbm>> -> memref<1000xf32, #tpu.memory_space<hbm>>
        tpu.wait_dma2 semaphore(%arg6 : memref<!tpu.dma_semaphore, #tpu.memory_space<semaphore_mem>>) src(%dma_wait3A_503 : memref<1000xf32, #tpu.memory_space<hbm>>) dst(%dma_wait3A_501 : memref<1000xf32, #tpu.memory_space<vmem>>)
        %dma_wait3A_504 = arith.constant 22 : i32
        %dma_wait3A_505 = arith.constant 22000 : i32
        %dma_wait3A_506 = tpu.memref_slice %arg4[%dma_wait3A_505] : memref<32000xf32, #tpu.memory_space<vmem>> -> memref<1000xf32, #tpu.memory_space<vmem>>
        %dma_wait3A_507 = tpu.memref_slice %arg2[%dma_wait3A_504, %multiple_of3A] : memref<32x1000000xf32, #tpu.memory_space<hbm>> -> memref<1x1000xf32, #tpu.memory_space<hbm>>
        %dma_wait3A_508 = tpu.memref_squeeze %dma_wait3A_507 : memref<1x1000xf32, #tpu.memory_space<hbm>> -> memref<1000xf32, #tpu.memory_space<hbm>>
        %dma_wait3A_509 = arith.constant 22000 : i32
        %dma_wait3A_510 = tpu.memref_slice %arg4[%dma_wait3A_509] : memref<32000xf32, #tpu.memory_space<vmem>> -> memref<1000xf32, #tpu.memory_space<vmem>>
        %dma_wait3A_511 = tpu.memref_slice %arg2[%dma_wait3A_504, %multiple_of3A] : memref<32x1000000xf32, #tpu.memory_space<hbm>> -> memref<1x1000xf32, #tpu.memory_space<hbm>>
        %dma_wait3A_512 = tpu.memref_squeeze %dma_wait3A_511 : memref<1x1000xf32, #tpu.memory_space<hbm>> -> memref<1000xf32, #tpu.memory_space<hbm>>
        tpu.wait_dma2 semaphore(%arg6 : memref<!tpu.dma_semaphore, #tpu.memory_space<semaphore_mem>>) src(%dma_wait3A_512 : memref<1000xf32, #tpu.memory_space<hbm>>) dst(%dma_wait3A_510 : memref<1000xf32, #tpu.memory_space<vmem>>)
        %dma_wait3A_513 = arith.constant 23 : i32
        %dma_wait3A_514 = arith.constant 23000 : i32
        %dma_wait3A_515 = tpu.memref_slice %arg4[%dma_wait3A_514] : memref<32000xf32, #tpu.memory_space<vmem>> -> memref<1000xf32, #tpu.memory_space<vmem>>
        %dma_wait3A_516 = tpu.memref_slice %arg2[%dma_wait3A_513, %multiple_of3A] : memref<32x1000000xf32, #tpu.memory_space<hbm>> -> memref<1x1000xf32, #tpu.memory_space<hbm>>
        %dma_wait3A_517 = tpu.memref_squeeze %dma_wait3A_516 : memref<1x1000xf32, #tpu.memory_space<hbm>> -> memref<1000xf32, #tpu.memory_space<hbm>>
        %dma_wait3A_518 = arith.constant 23000 : i32
        %dma_wait3A_519 = tpu.memref_slice %arg4[%dma_wait3A_518] : memref<32000xf32, #tpu.memory_space<vmem>> -> memref<1000xf32, #tpu.memory_space<vmem>>
        %dma_wait3A_520 = tpu.memref_slice %arg2[%dma_wait3A_513, %multiple_of3A] : memref<32x1000000xf32, #tpu.memory_space<hbm>> -> memref<1x1000xf32, #tpu.memory_space<hbm>>
        %dma_wait3A_521 = tpu.memref_squeeze %dma_wait3A_520 : memref<1x1000xf32, #tpu.memory_space<hbm>> -> memref<1000xf32, #tpu.memory_space<hbm>>
        tpu.wait_dma2 semaphore(%arg6 : memref<!tpu.dma_semaphore, #tpu.memory_space<semaphore_mem>>) src(%dma_wait3A_521 : memref<1000xf32, #tpu.memory_space<hbm>>) dst(%dma_wait3A_519 : memref<1000xf32, #tpu.memory_space<vmem>>)
        %dma_wait3A_522 = arith.constant 24 : i32
        %dma_wait3A_523 = arith.constant 24000 : i32
        %dma_wait3A_524 = tpu.memref_slice %arg4[%dma_wait3A_523] : memref<32000xf32, #tpu.memory_space<vmem>> -> memref<1000xf32, #tpu.memory_space<vmem>>
        %dma_wait3A_525 = tpu.memref_slice %arg2[%dma_wait3A_522, %multiple_of3A] : memref<32x1000000xf32, #tpu.memory_space<hbm>> -> memref<1x1000xf32, #tpu.memory_space<hbm>>
        %dma_wait3A_526 = tpu.memref_squeeze %dma_wait3A_525 : memref<1x1000xf32, #tpu.memory_space<hbm>> -> memref<1000xf32, #tpu.memory_space<hbm>>
        %dma_wait3A_527 = arith.constant 24000 : i32
        %dma_wait3A_528 = tpu.memref_slice %arg4[%dma_wait3A_527] : memref<32000xf32, #tpu.memory_space<vmem>> -> memref<1000xf32, #tpu.memory_space<vmem>>
        %dma_wait3A_529 = tpu.memref_slice %arg2[%dma_wait3A_522, %multiple_of3A] : memref<32x1000000xf32, #tpu.memory_space<hbm>> -> memref<1x1000xf32, #tpu.memory_space<hbm>>
        %dma_wait3A_530 = tpu.memref_squeeze %dma_wait3A_529 : memref<1x1000xf32, #tpu.memory_space<hbm>> -> memref<1000xf32, #tpu.memory_space<hbm>>
        tpu.wait_dma2 semaphore(%arg6 : memref<!tpu.dma_semaphore, #tpu.memory_space<semaphore_mem>>) src(%dma_wait3A_530 : memref<1000xf32, #tpu.memory_space<hbm>>) dst(%dma_wait3A_528 : memref<1000xf32, #tpu.memory_space<vmem>>)
        %dma_wait3A_531 = arith.constant 25 : i32
        %dma_wait3A_532 = arith.constant 25000 : i32
        %dma_wait3A_533 = tpu.memref_slice %arg4[%dma_wait3A_532] : memref<32000xf32, #tpu.memory_space<vmem>> -> memref<1000xf32, #tpu.memory_space<vmem>>
        %dma_wait3A_534 = tpu.memref_slice %arg2[%dma_wait3A_531, %multiple_of3A] : memref<32x1000000xf32, #tpu.memory_space<hbm>> -> memref<1x1000xf32, #tpu.memory_space<hbm>>
        %dma_wait3A_535 = tpu.memref_squeeze %dma_wait3A_534 : memref<1x1000xf32, #tpu.memory_space<hbm>> -> memref<1000xf32, #tpu.memory_space<hbm>>
        %dma_wait3A_536 = arith.constant 25000 : i32
        %dma_wait3A_537 = tpu.memref_slice %arg4[%dma_wait3A_536] : memref<32000xf32, #tpu.memory_space<vmem>> -> memref<1000xf32, #tpu.memory_space<vmem>>
        %dma_wait3A_538 = tpu.memref_slice %arg2[%dma_wait3A_531, %multiple_of3A] : memref<32x1000000xf32, #tpu.memory_space<hbm>> -> memref<1x1000xf32, #tpu.memory_space<hbm>>
        %dma_wait3A_539 = tpu.memref_squeeze %dma_wait3A_538 : memref<1x1000xf32, #tpu.memory_space<hbm>> -> memref<1000xf32, #tpu.memory_space<hbm>>
        tpu.wait_dma2 semaphore(%arg6 : memref<!tpu.dma_semaphore, #tpu.memory_space<semaphore_mem>>) src(%dma_wait3A_539 : memref<1000xf32, #tpu.memory_space<hbm>>) dst(%dma_wait3A_537 : memref<1000xf32, #tpu.memory_space<vmem>>)
        %dma_wait3A_540 = arith.constant 26 : i32
        %dma_wait3A_541 = arith.constant 26000 : i32
        %dma_wait3A_542 = tpu.memref_slice %arg4[%dma_wait3A_541] : memref<32000xf32, #tpu.memory_space<vmem>> -> memref<1000xf32, #tpu.memory_space<vmem>>
        %dma_wait3A_543 = tpu.memref_slice %arg2[%dma_wait3A_540, %multiple_of3A] : memref<32x1000000xf32, #tpu.memory_space<hbm>> -> memref<1x1000xf32, #tpu.memory_space<hbm>>
        %dma_wait3A_544 = tpu.memref_squeeze %dma_wait3A_543 : memref<1x1000xf32, #tpu.memory_space<hbm>> -> memref<1000xf32, #tpu.memory_space<hbm>>
        %dma_wait3A_545 = arith.constant 26000 : i32
        %dma_wait3A_546 = tpu.memref_slice %arg4[%dma_wait3A_545] : memref<32000xf32, #tpu.memory_space<vmem>> -> memref<1000xf32, #tpu.memory_space<vmem>>
        %dma_wait3A_547 = tpu.memref_slice %arg2[%dma_wait3A_540, %multiple_of3A] : memref<32x1000000xf32, #tpu.memory_space<hbm>> -> memref<1x1000xf32, #tpu.memory_space<hbm>>
        %dma_wait3A_548 = tpu.memref_squeeze %dma_wait3A_547 : memref<1x1000xf32, #tpu.memory_space<hbm>> -> memref<1000xf32, #tpu.memory_space<hbm>>
        tpu.wait_dma2 semaphore(%arg6 : memref<!tpu.dma_semaphore, #tpu.memory_space<semaphore_mem>>) src(%dma_wait3A_548 : memref<1000xf32, #tpu.memory_space<hbm>>) dst(%dma_wait3A_546 : memref<1000xf32, #tpu.memory_space<vmem>>)
        %dma_wait3A_549 = arith.constant 27 : i32
        %dma_wait3A_550 = arith.constant 27000 : i32
        %dma_wait3A_551 = tpu.memref_slice %arg4[%dma_wait3A_550] : memref<32000xf32, #tpu.memory_space<vmem>> -> memref<1000xf32, #tpu.memory_space<vmem>>
        %dma_wait3A_552 = tpu.memref_slice %arg2[%dma_wait3A_549, %multiple_of3A] : memref<32x1000000xf32, #tpu.memory_space<hbm>> -> memref<1x1000xf32, #tpu.memory_space<hbm>>
        %dma_wait3A_553 = tpu.memref_squeeze %dma_wait3A_552 : memref<1x1000xf32, #tpu.memory_space<hbm>> -> memref<1000xf32, #tpu.memory_space<hbm>>
        %dma_wait3A_554 = arith.constant 27000 : i32
        %dma_wait3A_555 = tpu.memref_slice %arg4[%dma_wait3A_554] : memref<32000xf32, #tpu.memory_space<vmem>> -> memref<1000xf32, #tpu.memory_space<vmem>>
        %dma_wait3A_556 = tpu.memref_slice %arg2[%dma_wait3A_549, %multiple_of3A] : memref<32x1000000xf32, #tpu.memory_space<hbm>> -> memref<1x1000xf32, #tpu.memory_space<hbm>>
        %dma_wait3A_557 = tpu.memref_squeeze %dma_wait3A_556 : memref<1x1000xf32, #tpu.memory_space<hbm>> -> memref<1000xf32, #tpu.memory_space<hbm>>
        tpu.wait_dma2 semaphore(%arg6 : memref<!tpu.dma_semaphore, #tpu.memory_space<semaphore_mem>>) src(%dma_wait3A_557 : memref<1000xf32, #tpu.memory_space<hbm>>) dst(%dma_wait3A_555 : memref<1000xf32, #tpu.memory_space<vmem>>)
        %dma_wait3A_558 = arith.constant 28 : i32
        %dma_wait3A_559 = arith.constant 28000 : i32
        %dma_wait3A_560 = tpu.memref_slice %arg4[%dma_wait3A_559] : memref<32000xf32, #tpu.memory_space<vmem>> -> memref<1000xf32, #tpu.memory_space<vmem>>
        %dma_wait3A_561 = tpu.memref_slice %arg2[%dma_wait3A_558, %multiple_of3A] : memref<32x1000000xf32, #tpu.memory_space<hbm>> -> memref<1x1000xf32, #tpu.memory_space<hbm>>
        %dma_wait3A_562 = tpu.memref_squeeze %dma_wait3A_561 : memref<1x1000xf32, #tpu.memory_space<hbm>> -> memref<1000xf32, #tpu.memory_space<hbm>>
        %dma_wait3A_563 = arith.constant 28000 : i32
        %dma_wait3A_564 = tpu.memref_slice %arg4[%dma_wait3A_563] : memref<32000xf32, #tpu.memory_space<vmem>> -> memref<1000xf32, #tpu.memory_space<vmem>>
        %dma_wait3A_565 = tpu.memref_slice %arg2[%dma_wait3A_558, %multiple_of3A] : memref<32x1000000xf32, #tpu.memory_space<hbm>> -> memref<1x1000xf32, #tpu.memory_space<hbm>>
        %dma_wait3A_566 = tpu.memref_squeeze %dma_wait3A_565 : memref<1x1000xf32, #tpu.memory_space<hbm>> -> memref<1000xf32, #tpu.memory_space<hbm>>
        tpu.wait_dma2 semaphore(%arg6 : memref<!tpu.dma_semaphore, #tpu.memory_space<semaphore_mem>>) src(%dma_wait3A_566 : memref<1000xf32, #tpu.memory_space<hbm>>) dst(%dma_wait3A_564 : memref<1000xf32, #tpu.memory_space<vmem>>)
        %dma_wait3A_567 = arith.constant 29 : i32
        %dma_wait3A_568 = arith.constant 29000 : i32
        %dma_wait3A_569 = tpu.memref_slice %arg4[%dma_wait3A_568] : memref<32000xf32, #tpu.memory_space<vmem>> -> memref<1000xf32, #tpu.memory_space<vmem>>
        %dma_wait3A_570 = tpu.memref_slice %arg2[%dma_wait3A_567, %multiple_of3A] : memref<32x1000000xf32, #tpu.memory_space<hbm>> -> memref<1x1000xf32, #tpu.memory_space<hbm>>
        %dma_wait3A_571 = tpu.memref_squeeze %dma_wait3A_570 : memref<1x1000xf32, #tpu.memory_space<hbm>> -> memref<1000xf32, #tpu.memory_space<hbm>>
        %dma_wait3A_572 = arith.constant 29000 : i32
        %dma_wait3A_573 = tpu.memref_slice %arg4[%dma_wait3A_572] : memref<32000xf32, #tpu.memory_space<vmem>> -> memref<1000xf32, #tpu.memory_space<vmem>>
        %dma_wait3A_574 = tpu.memref_slice %arg2[%dma_wait3A_567, %multiple_of3A] : memref<32x1000000xf32, #tpu.memory_space<hbm>> -> memref<1x1000xf32, #tpu.memory_space<hbm>>
        %dma_wait3A_575 = tpu.memref_squeeze %dma_wait3A_574 : memref<1x1000xf32, #tpu.memory_space<hbm>> -> memref<1000xf32, #tpu.memory_space<hbm>>
        tpu.wait_dma2 semaphore(%arg6 : memref<!tpu.dma_semaphore, #tpu.memory_space<semaphore_mem>>) src(%dma_wait3A_575 : memref<1000xf32, #tpu.memory_space<hbm>>) dst(%dma_wait3A_573 : memref<1000xf32, #tpu.memory_space<vmem>>)
        %dma_wait3A_576 = arith.constant 30 : i32
        %dma_wait3A_577 = arith.constant 30000 : i32
        %dma_wait3A_578 = tpu.memref_slice %arg4[%dma_wait3A_577] : memref<32000xf32, #tpu.memory_space<vmem>> -> memref<1000xf32, #tpu.memory_space<vmem>>
        %dma_wait3A_579 = tpu.memref_slice %arg2[%dma_wait3A_576, %multiple_of3A] : memref<32x1000000xf32, #tpu.memory_space<hbm>> -> memref<1x1000xf32, #tpu.memory_space<hbm>>
        %dma_wait3A_580 = tpu.memref_squeeze %dma_wait3A_579 : memref<1x1000xf32, #tpu.memory_space<hbm>> -> memref<1000xf32, #tpu.memory_space<hbm>>
        %dma_wait3A_581 = arith.constant 30000 : i32
        %dma_wait3A_582 = tpu.memref_slice %arg4[%dma_wait3A_581] : memref<32000xf32, #tpu.memory_space<vmem>> -> memref<1000xf32, #tpu.memory_space<vmem>>
        %dma_wait3A_583 = tpu.memref_slice %arg2[%dma_wait3A_576, %multiple_of3A] : memref<32x1000000xf32, #tpu.memory_space<hbm>> -> memref<1x1000xf32, #tpu.memory_space<hbm>>
        %dma_wait3A_584 = tpu.memref_squeeze %dma_wait3A_583 : memref<1x1000xf32, #tpu.memory_space<hbm>> -> memref<1000xf32, #tpu.memory_space<hbm>>
        tpu.wait_dma2 semaphore(%arg6 : memref<!tpu.dma_semaphore, #tpu.memory_space<semaphore_mem>>) src(%dma_wait3A_584 : memref<1000xf32, #tpu.memory_space<hbm>>) dst(%dma_wait3A_582 : memref<1000xf32, #tpu.memory_space<vmem>>)
        %dma_wait3A_585 = arith.constant 31 : i32
        %dma_wait3A_586 = arith.constant 31000 : i32
        %dma_wait3A_587 = tpu.memref_slice %arg4[%dma_wait3A_586] : memref<32000xf32, #tpu.memory_space<vmem>> -> memref<1000xf32, #tpu.memory_space<vmem>>
        %dma_wait3A_588 = tpu.memref_slice %arg2[%dma_wait3A_585, %multiple_of3A] : memref<32x1000000xf32, #tpu.memory_space<hbm>> -> memref<1x1000xf32, #tpu.memory_space<hbm>>
        %dma_wait3A_589 = tpu.memref_squeeze %dma_wait3A_588 : memref<1x1000xf32, #tpu.memory_space<hbm>> -> memref<1000xf32, #tpu.memory_space<hbm>>
        %dma_wait3A_590 = arith.constant 31000 : i32
        %dma_wait3A_591 = tpu.memref_slice %arg4[%dma_wait3A_590] : memref<32000xf32, #tpu.memory_space<vmem>> -> memref<1000xf32, #tpu.memory_space<vmem>>
        %dma_wait3A_592 = tpu.memref_slice %arg2[%dma_wait3A_585, %multiple_of3A] : memref<32x1000000xf32, #tpu.memory_space<hbm>> -> memref<1x1000xf32, #tpu.memory_space<hbm>>
        %dma_wait3A_593 = tpu.memref_squeeze %dma_wait3A_592 : memref<1x1000xf32, #tpu.memory_space<hbm>> -> memref<1000xf32, #tpu.memory_space<hbm>>
        tpu.wait_dma2 semaphore(%arg6 : memref<!tpu.dma_semaphore, #tpu.memory_space<semaphore_mem>>) src(%dma_wait3A_593 : memref<1000xf32, #tpu.memory_space<hbm>>) dst(%dma_wait3A_591 : memref<1000xf32, #tpu.memory_space<vmem>>)
        %scan3A_594 = arith.constant 0 : i32
        %scan3A_595 = arith.constant 0 : i32
        %scan3A_596 = arith.constant 1000 : i32
        %scan3A_597 = arith.addi %scan3A_595, %scan3A_596 : i32
        %scan3A_598 = arith.constant 1 : i32
        scf.for %scan3A_602 = %scan3A_595 to %scan3A_597 step %scan3A_598  : i32 {
          %add3A_603 = vector.broadcast %scan3A_602 : i32 to vector<16xi32>
          %add3A_604 = arith.addi %mul3A_3, %add3A_603 : vector<16xi32>
          %gather3A = tpu.vector_load_idx %arg4[%add3A_604] : memref<32000xf32, #tpu.memory_space<vmem>>[vector<16xi32>], vector<16xf32>,
          %add3A_605 = vector.broadcast %scan3A_602 : i32 to vector<16xi32>
          %add3A_606 = arith.addi %add3A_6, %add3A_605 : vector<16xi32>
          %gather3A_607 = tpu.vector_load_idx %arg4[%add3A_606] : memref<32000xf32, #tpu.memory_space<vmem>>[vector<16xi32>], vector<16xf32>,
          %mul3A_608 = arith.constant 32 : i32
          %mul3A_609 = arith.muli %scan3A_602, %mul3A_608 : i32
          %multiple_of3A_610 = tpu.assume_multiple %mul3A_609, 32 : i32
          %swap3A = arith.index_cast %multiple_of3A_610 : i32 to index
          %swap3A_611 = tpu.vector_load %arg5[%swap3A] {strides = array<i32>} : memref<32000xf32, #tpu.memory_space<vmem>>, vector<16xf32>,
          tpu.vector_store %arg5[%swap3A], %gather3A {strides = array<i32>} : memref<32000xf32, #tpu.memory_space<vmem>>, vector<16xf32>,
          %add3A_612 = arith.constant 16 : i32
          %add3A_613 = arith.addi %multiple_of3A_610, %add3A_612 : i32
          %swap3A_614 = arith.index_cast %add3A_613 : i32 to index
          %swap3A_615 = tpu.vector_load %arg5[%swap3A_614] {strides = array<i32>} : memref<32000xf32, #tpu.memory_space<vmem>>, vector<16xf32>,
          tpu.vector_store %arg5[%swap3A_614], %gather3A_607 {strides = array<i32>} : memref<32000xf32, #tpu.memory_space<vmem>>, vector<16xf32>,
        }
        %scan3A_599 = arith.constant 1000 : i32
        %mul3A_600 = arith.constant 32 : i32
        %mul3A_601 = arith.muli %multiple_of3A, %mul3A_600 : i32
        "tpu.region"() ({
          %run_scoped3A = tpu.sem_alloc : memref<!tpu.dma_semaphore, #tpu.memory_space<semaphore_mem>>
          %dma_start3A_602 = tpu.memref_slice %arg3[%mul3A_601] : memref<32000000xf32, #tpu.memory_space<hbm>> -> memref<32000xf32, #tpu.memory_space<hbm>>
          %dma_start3A_603 = tpu.memref_slice %arg3[%mul3A_601] : memref<32000000xf32, #tpu.memory_space<hbm>> -> memref<32000xf32, #tpu.memory_space<hbm>>
          tpu.enqueue_dma source(%arg5 : memref<32000xf32, #tpu.memory_space<vmem>>) target(%dma_start3A_603 : memref<32000xf32, #tpu.memory_space<hbm>>) target_semaphore(%run_scoped3A : memref<!tpu.dma_semaphore, #tpu.memory_space<semaphore_mem>>)
          %dma_wait3A_604 = tpu.memref_slice %arg3[%mul3A_601] : memref<32000000xf32, #tpu.memory_space<hbm>> -> memref<32000xf32, #tpu.memory_space<hbm>>
          %dma_wait3A_605 = tpu.memref_slice %arg3[%mul3A_601] : memref<32000000xf32, #tpu.memory_space<hbm>> -> memref<32000xf32, #tpu.memory_space<hbm>>
          tpu.wait_dma2 semaphore(%run_scoped3A : memref<!tpu.dma_semaphore, #tpu.memory_space<semaphore_mem>>) src(%arg5 : memref<32000xf32, #tpu.memory_space<vmem>>) dst(%dma_wait3A_605 : memref<32000xf32, #tpu.memory_space<hbm>>)
          tpu.yield
        }) : () -> ()
      } else {
      }
    }
    %scan3A_11 = arith.constant 32 : i32
    return
  }
}

module attributes {stable_mosaic.version = 14 : i64} {
  func.func @body(%arg0: i32, %arg1: memref<1x4096x128xf32, #tpu.memory_space<vmem>>, %arg2: memref<1x128x52xf32, #tpu.memory_space<vmem>>, %arg3: memref<4096x52xf32, #tpu.memory_space<vmem>>) attributes {dimension_semantics = [#tpu.dimension_semantics<arbitrary>], iteration_bounds = array<i64: 50>, scalar_prefetch = 0 : i64, scratch_operands = 0 : i64, tpu.core_type = #tpu.core_type<tc>, window_params = [{transform_indices = @transform_0, window_bounds = array<i64: 1, 4096, 128>}, {transform_indices = @transform_1, window_bounds = array<i64: 1, 128, 52>}, {pipeline_mode = #tpu.pipeline_mode<synchronous>, transform_indices = @transform_2, window_bounds = array<i64: 4096, 52>}]} {
    %get3A = arith.constant 0 : index
    %get3A_0 = arith.constant 0 : index
    %get3A_1 = arith.constant 0 : index
    %get3A_2 = vector.load %arg1[%get3A, %get3A_0, %get3A_1] : memref<1x4096x128xf32, #tpu.memory_space<vmem>>, vector<1x4096x128xf32>
    %get3A_3 = vector.shape_cast %get3A_2 : vector<1x4096x128xf32> to vector<4096x128xf32>
    %get3A_4 = arith.constant 0 : index
    %get3A_5 = arith.constant 0 : index
    %get3A_6 = arith.constant 0 : index
    %get3A_7 = vector.load %arg2[%get3A_4, %get3A_5, %get3A_6] : memref<1x128x52xf32, #tpu.memory_space<vmem>>, vector<1x128x52xf32>
    %get3A_8 = vector.shape_cast %get3A_7 : vector<1x128x52xf32> to vector<128x52xf32>
    %dot_general3A = arith.constant dense<0.000000e+00> : vector<4096x52xf32>
    %dot_general3A_9 = tpu.matmul %get3A_3, %get3A_8, %dot_general3A {dimension_numbers = #tpu.dot_dimension_numbers<[1], [0], [0], [1], [0, 0, 1, 1], [], []>, transpose_lhs_hint = false} : vector<4096x128xf32>, vector<128x52xf32>, vector<4096x52xf32> -> vector<4096x52xf32>
    %eq3A = arith.constant 0 : i32
    %eq3A_10 = arith.cmpi eq, %arg0, %eq3A : i32
    %convert_element_type3A = arith.extui %eq3A_10 : i1 to i32
    %cond3A = arith.constant 0 : i32
    %cond3A_11 = arith.cmpi ne, %convert_element_type3A, %cond3A : i32
    scf.if %cond3A_11 {
      %swap3A = arith.constant 0 : index
      %swap3A_16 = arith.constant 0 : index
      %swap3A_17 = vector.load %arg3[%swap3A, %swap3A_16] : memref<4096x52xf32, #tpu.memory_space<vmem>>, vector<4096x52xf32>
      tpu.vector_store %arg3[%swap3A, %swap3A_16], %dot_general3A_9 {strides = array<i32>} : memref<4096x52xf32, #tpu.memory_space<vmem>>, vector<4096x52xf32>,
    } else {
    }
    %gt3A = arith.constant 0 : i32
    %gt3A_12 = arith.cmpi sgt, %arg0, %gt3A : i32
    %convert_element_type3A_13 = arith.extui %gt3A_12 : i1 to i32
    %cond3A_14 = arith.constant 0 : i32
    %cond3A_15 = arith.cmpi ne, %convert_element_type3A_13, %cond3A_14 : i32
    scf.if %cond3A_15 {
      %get3A_16 = arith.constant 0 : index
      %get3A_17 = arith.constant 0 : index
      %get3A_18 = vector.load %arg3[%get3A_16, %get3A_17] : memref<4096x52xf32, #tpu.memory_space<vmem>>, vector<4096x52xf32>
      %add3A = arith.addf %get3A_18, %dot_general3A_9 : vector<4096x52xf32>
      %swap3A = arith.constant 0 : index
      %swap3A_19 = arith.constant 0 : index
      %swap3A_20 = vector.load %arg3[%swap3A, %swap3A_19] : memref<4096x52xf32, #tpu.memory_space<vmem>>, vector<4096x52xf32>
      tpu.vector_store %arg3[%swap3A, %swap3A_19], %add3A {strides = array<i32>} : memref<4096x52xf32, #tpu.memory_space<vmem>>, vector<4096x52xf32>,
    } else {
    }
    return
  }
  func.func @transform_0(%arg0: i32) -> (i32, i32, i32) {
    %c0_i32 = arith.constant 0 : i32
    %c0_i32_0 = arith.constant 0 : i32
    %c0_i32_1 = arith.constant 0 : i32
    return %arg0, %c0_i32, %c0_i32_0 : i32, i32, i32
  }
  func.func @transform_1(%arg0: i32) -> (i32, i32, i32) {
    %c0_i32 = arith.constant 0 : i32
    %c0_i32_0 = arith.constant 0 : i32
    %c0_i32_1 = arith.constant 0 : i32
    return %arg0, %c0_i32, %c0_i32_0 : i32, i32, i32
  }
  func.func @transform_2(%arg0: i32) -> (i32, i32) {
    %c0_i32 = arith.constant 0 : i32
    %c0_i32_0 = arith.constant 0 : i32
    %c0_i32_1 = arith.constant 0 : i32
    return %c0_i32, %c0_i32_0 : i32, i32
  }
}

</mosaic_0001>

<sc_bundles>
// kernel: kernel.5.cloned.1.call-start
scs
__scs_entry_jumppad:
0x0: {  	(pc) =	sbr.rel $0x88, $3  }
0x1: {  	(tag) =	ssettag $0x0;
	lr =	simm.s32 $0x1  }
0x2: {  	[smem:$0x3F9D] =	sst lr;
	_ =	strace $0xD0000000  }
0x3: {  	_ = 	snop  }
0x4: {  	_ = 	snop  }
0x5: {  	_ = 	snop  }
0x6: {  	_ = 	snop  }
0x7: {  	_ = 	snop  }
__scs_overlays_trampoline_lowered:
0x8: {  	[smem:$0x3FAC] =	sst s0  }
0x9: {  	[smem:$0x3FAD] =	sst s1  }
0xa: {  	[smem:$0x3FAE] =	sst s2  }
0xb: {  	[smem:$0x3FAF] =	sst s3  }
0xc: {  	[smem:$0x3FB0] =	sst s4  }
0xd: {  	[smem:$0x3FB1] =	sst s5  }
0xe: {  	[smem:$0x3FB2] =	sst s6  }
0xf: {  	[smem:$0x3FB3] =	sst s7  }
0x10: {  	[smem:$0x3FB4] =	sst s8  }
0x11: {  	[smem:$0x3FB5] =	sst s9;
	s0 =	simm.s32 @!p0 $0x0  }
0x12: {  	s1 =	sld [smem:$0x3F9B];
	s0 =	simm.s32 @p0 $0x1  }
0x13: {  	[smem:$0x3FB6] =	sst s0;
	s0 =	simm.s32 @!p1 $0x0  }
0x14: {  	s2 =	sld [smem:$0x3F9A];
	s0 =	simm.s32 @p1 $0x1  }
0x15: {  	[smem:$0x3FB7] =	sst s0;
	s0 =	simm.s32 @!p2 $0x0  }
0x16: {  	s3 =	sld [smem:$0x3FDB];
	s0 =	simm.s32 @p2 $0x1  }
0x17: {  	s4 =	simm.s32 $0x1BF5;
	[smem:$0x3FB9] =	sst s0  }
0x18: {  	s0 =	sld [smem:$0x3F9C];
	_ =	swait.ge [sflag:s4], $0x0  }
0x19: {  	s7 =	sld [smem:$0x3F9D]  }
0x1a: {  	s8 =	sadd.s32 $0xFFFFE003, lr  }
0x1b: {  	s9 =	sadd.s32 $0xFFFFFEF7, lr;
	s5 =	simm.s32 $0xFFFFFFFF;
	p2 =	slt.u32 s8, $0xFFFFF086  }
0x1c: {  	p1 =	slt.u32 s9, $0xF7A;
	s5 =	simm.s32 @!p2 $0x0  }
0x1d: {  	s5 =	simm.s32 @p1 $0x1;
	p0 =	seq.s32 s7, s2  }
0x1e: {  	s7 =	smul.u32 @!p0 $0xF7A, s2;
	p2 =	seq.s32 @!p0 s5, $0x0  }
0x1f: {  	s9 =	smul.u32 $0xF7A, s1;
	s8 =	simm.s32 @!p0 $0x1BF5;
	p2 =	por !p2, p0  }
0x20: {  	[sflag:s8] =	ssyncset.s32 @!p0 $0xFFFFF086;
	s6 =	sadd.s32 @!p0 s3, s7;
	s7 =	simm.s32 @!p0 $0x108  }
0x21: {  	s3 =	sadd.s32 s3, s9;
	s6 =	sadd.s32 @!p0 $0x88, s6;
	s7 =	simm.s32 @p2 $0x1082  }
0x22: {  	[simem:s7], [sflag:s8] =	dma.local @!p0 [hbm:s6], $0xF7A  }
0x23: {  	s9 =	sor.u32 $0xD0000000, s2;
	s6 =	simm.s32 $0x108;
	_ =	swait.ge @!p0 [sflag:s8], $0x0  }
0x24: {  	s3 =	sadd.s32 $0x88, s3;
	s6 =	simm.s32 @!p1 $0x1082;
	[sflag:s4] =	ssyncset.s32 $0xFFFFF086  }
0x25: {  	[simem:s6], [sflag:s4] =	dma.local [hbm:s3], $0xF7A  }
0x26: {  	[smem:$0x3F9D] =	sst s1;
	(tag) =	ssettag s2;
	_ =	strace s9  }
0x27: {  	s1 =	sld [smem:$0x3FAD]  }
0x28: {  	s2 =	sld [smem:$0x3FAE]  }
0x29: {  	s4 =	sld [smem:$0x3FB0]  }
0x2a: {  	p0 =	seq.s32 s5, $0x0;
	s5 =	sld [smem:$0x3FB1]  }
0x2b: {  	s6 =	sld [smem:$0x3FB2]  }
0x2c: {  	s7 =	sld [smem:$0x3FB3]  }
0x2d: {  	s3 =	simm.s32 $0x108;
	s8 =	sld [smem:$0x3FB4]  }
0x2e: {  	s3 =	simm.s32 @!p0 $0x1082;
	s9 =	sld [smem:$0x3FB5]  }
0x2f: {  	lr =	sadd.s32 s0, s3;
	s0 =	sld [smem:$0x3FAC]  }
0x30: {  	s3 =	sld [smem:$0x3FAF]  }
0x31: {  	[smem:$0x3FB8] =	sst s10  }
0x32: {  	s10 =	sld [smem:$0x3FB6];
	_ =	sdelay $0x3  }
0x33: {  	p0 =	seq.s32 s10, $0x1;
	s10 =	sld [smem:$0x3FB8];
	_ =	sdelay $0x3  }
0x34: {  	[smem:$0x3FB8] =	sst s10  }
0x35: {  	s10 =	sld [smem:$0x3FB7];
	_ =	sdelay $0x3  }
0x36: {  	p1 =	seq.s32 s10, $0x1;
	s10 =	sld [smem:$0x3FB8];
	_ =	sdelay $0x3  }
0x37: {  	[smem:$0x3FB8] =	sst s10  }
0x38: {  	s10 =	sld [smem:$0x3FB9]  }
0x39: {  	_ = 	snop;
	(pc) =	sbr.ind lr, $3  }
0x3a: {  	_ = 	snop  }
0x3b: {  	_ = 	snop  }
0x3c: {  	p2 =	seq.s32 s10, $0x1;
	s10 =	sld [smem:$0x3FB8]  }
0x3d: {  	_ =	shalt  }
0x3e: {  	_ =	shalt  }
0x3f: {  	_ =	shalt  }
0x40: {  	_ =	shalt  }
0x41: {  	_ =	shalt  }
0x42: {  	_ =	shalt  }
0x43: {  	_ =	shalt  }
0x44: {  	_ =	shalt  }
0x45: {  	_ =	shalt  }
0x46: {  	_ =	shalt  }
0x47: {  	_ =	shalt  }
0x48: {  	_ =	shalt  }
0x49: {  	_ =	shalt  }
0x4a: {  	_ =	shalt  }
0x4b: {  	_ =	shalt  }
0x4c: {  	_ =	shalt  }
0x4d: {  	_ =	shalt  }
0x4e: {  	_ =	shalt  }
0x4f: {  	_ =	shalt  }
0x50: {  	_ =	shalt  }
0x51: {  	_ =	shalt  }
0x52: {  	_ =	shalt  }
0x53: {  	_ =	shalt  }
0x54: {  	_ =	shalt  }
0x55: {  	_ =	shalt  }
0x56: {  	_ =	shalt  }
0x57: {  	_ =	shalt  }
0x58: {  	_ =	shalt  }
0x59: {  	_ =	shalt  }
0x5a: {  	_ =	shalt  }
0x5b: {  	_ =	shalt  }
0x5c: {  	_ =	shalt  }
0x5d: {  	_ =	shalt  }
0x5e: {  	_ =	shalt  }
0x5f: {  	_ =	shalt  }
0x60: {  	_ =	shalt  }
0x61: {  	_ =	shalt  }
0x62: {  	_ =	shalt  }
0x63: {  	_ =	shalt  }
0x64: {  	_ =	shalt  }
0x65: {  	_ =	shalt  }
0x66: {  	_ =	shalt  }
0x67: {  	_ =	shalt  }
0x68: {  	_ =	shalt  }
0x69: {  	_ =	shalt  }
0x6a: {  	_ =	shalt  }
0x6b: {  	_ =	shalt  }
0x6c: {  	_ =	shalt  }
0x6d: {  	_ =	shalt  }
0x6e: {  	_ =	shalt  }
0x6f: {  	_ =	shalt  }
0x70: {  	_ =	shalt  }
0x71: {  	_ =	shalt  }
0x72: {  	_ =	shalt  }
0x73: {  	_ =	shalt  }
0x74: {  	_ =	shalt  }
0x75: {  	_ =	shalt  }
0x76: {  	_ =	shalt  }
0x77: {  	_ =	shalt  }
0x78: {  	_ =	shalt  }
0x79: {  	_ =	shalt  }
0x7a: {  	_ =	shalt  }
0x7b: {  	_ =	shalt  }
0x7c: {  	_ =	shalt  }
0x7d: {  	_ =	shalt  }
0x7e: {  	_ =	shalt  }
0x7f: {  	_ =	shalt  }
0x80: {  	_ =	shalt  }
0x81: {  	_ =	shalt  }
0x82: {  	_ =	shalt  }
0x83: {  	_ =	shalt  }
0x84: {  	_ =	shalt  }
0x85: {  	_ =	shalt  }
0x86: {  	_ =	shalt  }
0x87: {  	_ =	shalt  }
.Lfunc_end0:
.L_simem_size_0:
called_computation_lowered:
.L_overlay_start_0:
0x88: {  	s2 =	sld [smem:$0x3FD9]  }
0x89: {  	s3 =	sld [smem:$0x3FFE];
	_ =	sdelay $0x1  }
0x8a: {  	s1 =	srdreg.scid  }
0x8b: {  	s0 =	sand.u32 $0x1, s1  }
0x8c: {  	s16 =	sshll.u32 s0, $0xA;
	s2 =	sadd.s32 s3, s2  }
0x8d: {  	s2 =	sadd.s32 s2, s16  }
0x8e: {  	[smem:$0x3FC4] =	sst s2  }
0x8f: {  	_ = 	snop  }
0x90: {  	(tm) =	ssettm $0x1  }
0x91: {  	s17 =	sld [smem:$0x3FFB];
	_ =	sdelay $0x3  }
0x92: {  	_ =	strace s17  }
0x93: {  	s2 =	sld [smem:$0x3FFC];
	_ =	sdelay $0x3  }
0x94: {  	_ =	strace s2  }
0x95: {  	s2 =	sld [smem:$0x3FFD];
	_ =	sdelay $0x3  }
0x96: {  	_ =	strace s2  }
0x97: {  	_ =	strace $0x8FFFFFFF  }
0x98: {  	s18 =	sld [smem:$0x3FDB];
	_ =	sdelay $0x1  }
0x99: {  	s19 =	simm.s32 $_scs_section_size  }
0x9a: {  	s4 =	simm.s32 $_size__tile_overlayer_lowered;
	s5 =	simm.s32 $_tile_overlayer_lowered  }
0x9b: {  	s22 =	simm.s32 $0x1BFF;
	s21 =	sshll.u32 s5, $0x1;
	s2 =	sadd.s32 s19, s18  }
0x9c: {  	s6 =	simm.s32 $0x0;
	s20 =	sshll.u32 s4, $0x1;
	s4 =	sadd.s32 s21, s2  }
0x9d: {  	[timem:s6], [sflag:s22] =	dma.local [hbm:s4], s20  }
0x9e: {  	_ =	swait.ge [sflag:s22], s20  }
0x9f: {  	s3 =	ssub.s32 $0x0, s20;
	[sflag:s22] =	ssyncset.done $0x0  }
0xa0: {  	[sflag:s22] =	ssyncadd.s32 s3;
	_ =	sdelay $0x1  }
0xa1: {  	s23 =	simm.s32 $0x1B8B  }
0xa2: {  	_ =	swait.ge [sflag:s23], $0x1  }
0xa3: {  	[sflag:s23] =	ssyncset.done $0x0  }
0xa4: {  	s25 =	simm.s32 $0x1B8E;
	s24 =	sld [smem:$0x3FFE];
	[sflag:s23] =	ssyncadd.s32 $0xFFFFFFFF  }
0xa5: {  	s26 =	simm.s32 $execute0_lowered;
	[smem:$0x3FD2] =	sst s25  }
0xa6: {  	s4 =	sshll.u32 s26, $0x1;
	_ =	strace $0x80000046;
	[dreg:$0x1] =	wrdreg $0xFFFFFFFF  }
0xa7: {  	s28 =	simm.s32 $_size_execute0_lowered;
	s2 =	sadd.s32 s2, s4;
	[dreg:$0x0] =	wrdreg $0x0  }
0xa8: {  	s4 =	sshll.u32 s28, $0x1;
	[dreg:$0x2] =	wrdreg s2  }
0xa9: {  	[dreg:$0x3] =	wrdreg s4  }
0xaa: {  	[dreg:$0x4] =	wrdreg $0xC0  }
0xab: {  	_ =	task [dreg:s6], $0x5FFFF  }
0xac: {  	[dreg:$0x1] =	wrdreg $0xFFFFFFFF  }
0xad: {  	[dreg:$0x0] =	wrdreg $0x60  }
0xae: {  	[dreg:$0x2] =	wrdreg s24  }
0xaf: {  	[dreg:$0x3] =	wrdreg $0x9  }
0xb0: {  	_ =	task.clear_ibuf [dreg:s6], $0x4FFFF;
	_ =	strace $0x90000046  }
0xb1: {  	s29 =	simm.s32 $0x9;
	_ =	strace $0x80000048  }
0xb2: {  	_ =	swait.ge [sflag:s29], $0x1  }
0xb3: {  	[sflag:s29] =	ssyncadd.s32 $0xFFFFFFFF  }
0xb4: {  	_ =	strace $0x90000048  }
0xb5: {  	_ =	sfence  }
0xb6: {  	s30 =	sld [smem:$0x0];
	_ =	sdelay $0x2  }
0xb7: {  	s31 =	sshll.u32 s1, $0xD;
	s1 =	sshrl.u32 s1, $0x2  }
0xb8: {  	s3 =	sand.u32 $0x4000, s31;
	s1 =	sadd.s32 s1, s30  }
0xb9: {  	s0 =	sor.u32 s3, s0;
	s1 =	sshll.u32 s1, $0x11  }
0xba: {  	s0 =	sor.u32 s1, s0  }
0xbb: {  	s0 =	sadd.s32 $0x8F2B, s0  }
0xbc: {  	[sflag:s0] =	ssyncadd.remote.s32 $0x1  }
0xbd: {  	_ =	sfence.sel $0xFFFF  }
0xbe: {  	[dreg:$0x0] =	wrdreg $0xFFFFFFFF;
	(pc) =	sbr.abs _section_cstart, $3  }
0xbf: {  	[dreg:$0x1] =	wrdreg $0xFFFFFFFF  }
0xc0: {  	_ =	task.clear_ibuf [dreg:s6], $0x2FFFF;
	_ =	strace $0x9FFFFFFF  }
0xc1: {  	(tm) =	ssettm $0x7FFFFFFF  }
tec
execute0_lowered:
.L_overlay_start_1:
0x0: {  	(tag) =	ssettag $0x1  }
0x1: {  	s0 =	rddreg [dreg:$0x0]  }
0x2: {  	s1 =	simm.s32 $0x0;
	s2 =	srdreg.scid;
	s7 =	stileid.u32  }
0x3: {  	s22 =	simm.s32 $0x3A98;
	s23 =	simm.s32 $0x3E80;
	s24 =	simm.s32 $0x4268  }
0x4: {  	s25 =	simm.s32 $0x4650;
	s28 =	simm.s32 $0x4E20;
	s29 =	simm.s32 $0x5208  }
0x5: {  	s30 =	simm.s32 $0x55F0;
	s31 =	simm.s32 $0x59D8;
	s8 =	simm.s32 $0x6978  }
0x6: {  	s9 =	simm.s32 $0x6D60;
	s10 =	simm.s32 $0x7148;
	s11 =	simm.s32 $0x7530  }
0x7: {  	s12 =	simm.s32 $0x7918;
	s13 =	simm.s32 $0x1;
	s14 =	simm.s32 $0x7D00  }
0x8: {  	s15 =	simm.s32 $0x2;
	s17 =	simm.s32 $0x0;
	s3 =	sand.u32 $0x1, s2  }
.Ltmp0:
0x9: {  	[smem:$0x7FF] =	sst s1;
	s2 =	ssub.s32 $0x2, s3;
	(pc) =	sbr.rel .LBB2_1-.Ltmp0, $4  }
0xa: {  	v0 =	vlaneseq.u32;
	s4 =	sadd.s32 $0xC00, s0;
	s5 =	sadd.s32 $0x3D1600, s0;
	s6 =	sshrl.u32 s2, $0x1  }
0xb: {  	v0 =	vmul.u32 $0x3E8, v0;
	_ =	strace $0x80000047;
	s26 =	ssub.s32 s2, s6;
	s6 =	sshll.u32 s7, $0x1  }
0xc: {  	s2 =	simm.s32 $0x61A8;
	s7 =	simm.s32 $0x6590;
	s0 =	smax.u32 s26, $0x1  }
0xd: {  	v1 =	vadd.s32 $0x3E80, v0;
	s26 =	simm.s32 $0x4A38;
	[dreg:$0x2] =	wrdreg s0;
	s0 =	simm.s32 $0x5DC0  }
.LBB2_7:
0xe: {  	s17 =	rddreg [dreg:$0x3]  }
0xf: {  	s16 =	rddreg [dreg:$0x2];
	s17 =	sadd.s32 $0x1, s17  }
0x10: {  	p0 =	sne.s32 s17, s16  }
.Ltmp1:
0x11: {  	_ = 	snop;
	(pc) =	sbr.rel @!p0 .LBB2_8-.Ltmp1, $1  }
0x12: {  	_ =	sdelay $0x3  }
.LBB2_1:
.Ltmp2:
0x13: {  	(pc) =	sbr.rel .LBB2_2-.Ltmp2, $2  }
0x14: {  	_ =	sdelay $0x2  }
0x15: {  	[dreg:$0x3] =	wrdreg s17;
	s16 =	simm.s32 $0x0  }
.LBB2_6:
0x16: {  	s16 =	sadd.s32 $0x1, s16  }
0x17: {  	p0 =	sne.s32 s16, $0x20  }
.Ltmp3:
0x18: {  	_ = 	snop;
	(pc) =	sbr.rel @!p0 .LBB2_7-.Ltmp3, $1  }
0x19: {  	_ =	sdelay $0x3  }
.LBB2_2:
0x1a: {  	s17 =	sshll.u32 s16, $0x5  }
0x1b: {  	s17 =	sor.u32 s6, s17  }
0x1c: {  	p0 =	sgt.u32 s17, $0x3E7  }
.Ltmp4:
0x1d: {  	_ = 	snop;
	(pc) =	sbr.rel @p0 .LBB2_6-.Ltmp4, $1  }
0x1e: {  	_ =	sdelay $0x3  }
0x1f: {  	s17 =	sor.u32 s3, s17  }
0x20: {  	s18 =	smul.u32 $0x3E8, s17;
	_ =	sdelay $0x1  }
0x21: {  	s18 =	sshrl.u32 s18, $0x3  }
0x22: {  	s19 =	sadd.s32 s4, s18;
	s18 =	simm.s32 $0x0  }
0x23: {  	[tilespmem:s18], [sflag:$0x1] =	stream.linear.gather [hbm4b:s19+s18], $0x3E8, $0x38;
	[tilespmem:$0xFA00] =	vst v63  }
0x24: {  	s21 =	simm.s32 $0x3E8;
	s20 =	sadd.s32 $0x1E848, s19  }
0x25: {  	[tilespmem:s21], [sflag:$0x1] =	stream.linear.gather [hbm4b:s20+s18], $0x3E8, $0x38;
	[tilespmem:$0xFA00] =	vst v63  }
0x26: {  	s20 =	sadd.s32 $0x3D090, s19;
	s21 =	simm.s32 $0x7D0  }
0x27: {  	[tilespmem:s21], [sflag:$0x1] =	stream.linear.gather [hbm4b:s20+s18], $0x3E8, $0x38;
	[tilespmem:$0xFA00] =	vst v63  }
0x28: {  	s20 =	sadd.s32 $0x5B8D8, s19;
	s21 =	simm.s32 $0xBB8  }
0x29: {  	[tilespmem:s21], [sflag:$0x1] =	stream.linear.gather [hbm4b:s20+s18], $0x3E8, $0x38;
	[tilespmem:$0xFA00] =	vst v63  }
0x2a: {  	s20 =	sadd.s32 $0x7A120, s19;
	s21 =	simm.s32 $0xFA0  }
0x2b: {  	[tilespmem:s21], [sflag:$0x1] =	stream.linear.gather [hbm4b:s20+s18], $0x3E8, $0x38;
	[tilespmem:$0xFA00] =	vst v63  }
0x2c: {  	s20 =	sadd.s32 $0x98968, s19;
	s21 =	simm.s32 $0x1388  }
0x2d: {  	[tilespmem:s21], [sflag:$0x1] =	stream.linear.gather [hbm4b:s20+s18], $0x3E8, $0x38;
	[tilespmem:$0xFA00] =	vst v63  }
0x2e: {  	s20 =	sadd.s32 $0xB71B0, s19;
	s21 =	simm.s32 $0x1770  }
0x2f: {  	[tilespmem:s21], [sflag:$0x1] =	stream.linear.gather [hbm4b:s20+s18], $0x3E8, $0x38;
	[tilespmem:$0xFA00] =	vst v63  }
0x30: {  	s20 =	sadd.s32 $0xD59F8, s19;
	s21 =	simm.s32 $0x1B58  }
0x31: {  	[tilespmem:s21], [sflag:$0x1] =	stream.linear.gather [hbm4b:s20+s18], $0x3E8, $0x38;
	[tilespmem:$0xFA00] =	vst v63  }
0x32: {  	s20 =	sadd.s32 $0xF4240, s19;
	s21 =	simm.s32 $0x1F40  }
0x33: {  	[tilespmem:s21], [sflag:$0x1] =	stream.linear.gather [hbm4b:s20+s18], $0x3E8, $0x38;
	[tilespmem:$0xFA00] =	vst v63  }
0x34: {  	s20 =	sadd.s32 $0x112A88, s19;
	s21 =	simm.s32 $0x2328  }
0x35: {  	[tilespmem:s21], [sflag:$0x1] =	stream.linear.gather [hbm4b:s20+s18], $0x3E8, $0x38;
	[tilespmem:$0xFA00] =	vst v63  }
0x36: {  	s20 =	sadd.s32 $0x1312D0, s19;
	s21 =	simm.s32 $0x2710  }
0x37: {  	[tilespmem:s21], [sflag:$0x1] =	stream.linear.gather [hbm4b:s20+s18], $0x3E8, $0x38;
	[tilespmem:$0xFA00] =	vst v63  }
0x38: {  	s20 =	sadd.s32 $0x14FB18, s19;
	s21 =	simm.s32 $0x2AF8  }
0x39: {  	[tilespmem:s21], [sflag:$0x1] =	stream.linear.gather [hbm4b:s20+s18], $0x3E8, $0x38;
	[tilespmem:$0xFA00] =	vst v63  }
0x3a: {  	s20 =	sadd.s32 $0x16E360, s19;
	s21 =	simm.s32 $0x2EE0  }
0x3b: {  	[tilespmem:s21], [sflag:$0x1] =	stream.linear.gather [hbm4b:s20+s18], $0x3E8, $0x38;
	[tilespmem:$0xFA00] =	vst v63  }
0x3c: {  	s20 =	sadd.s32 $0x18CBA8, s19;
	s21 =	simm.s32 $0x32C8  }
0x3d: {  	[tilespmem:s21], [sflag:$0x1] =	stream.linear.gather [hbm4b:s20+s18], $0x3E8, $0x38;
	[tilespmem:$0xFA00] =	vst v63  }
0x3e: {  	s20 =	sadd.s32 $0x1AB3F0, s19;
	s21 =	simm.s32 $0x36B0  }
0x3f: {  	[tilespmem:s21], [sflag:$0x1] =	stream.linear.gather [hbm4b:s20+s18], $0x3E8, $0x38;
	[tilespmem:$0xFA00] =	vst v63  }
0x40: {  	s21 =	sadd.s32 $0x1C9C38, s19  }
0x41: {  	[tilespmem:s22], [sflag:$0x1] =	stream.linear.gather [hbm4b:s21+s18], $0x3E8, $0x38;
	[tilespmem:$0xFA00] =	vst v63  }
0x42: {  	s21 =	sadd.s32 $0x1E8480, s19  }
0x43: {  	[tilespmem:s23], [sflag:$0x1] =	stream.linear.gather [hbm4b:s21+s18], $0x3E8, $0x38;
	[tilespmem:$0xFA00] =	vst v63  }
0x44: {  	s21 =	sadd.s32 $0x206CC8, s19  }
0x45: {  	[tilespmem:s24], [sflag:$0x1] =	stream.linear.gather [hbm4b:s21+s18], $0x3E8, $0x38;
	[tilespmem:$0xFA00] =	vst v63  }
0x46: {  	s21 =	sadd.s32 $0x225510, s19  }
0x47: {  	[tilespmem:s25], [sflag:$0x1] =	stream.linear.gather [hbm4b:s21+s18], $0x3E8, $0x38;
	[tilespmem:$0xFA00] =	vst v63  }
0x48: {  	s21 =	sadd.s32 $0x243D58, s19  }
0x49: {  	[tilespmem:s26], [sflag:$0x1] =	stream.linear.gather [hbm4b:s21+s18], $0x3E8, $0x38;
	[tilespmem:$0xFA00] =	vst v63  }
0x4a: {  	s21 =	sadd.s32 $0x2625A0, s19  }
0x4b: {  	[tilespmem:s28], [sflag:$0x1] =	stream.linear.gather [hbm4b:s21+s18], $0x3E8, $0x38;
	[tilespmem:$0xFA00] =	vst v63  }
0x4c: {  	s21 =	sadd.s32 $0x280DE8, s19  }
0x4d: {  	[tilespmem:s29], [sflag:$0x1] =	stream.linear.gather [hbm4b:s21+s18], $0x3E8, $0x38;
	[tilespmem:$0xFA00] =	vst v63  }
0x4e: {  	s21 =	sadd.s32 $0x29F630, s19  }
0x4f: {  	[tilespmem:s30], [sflag:$0x1] =	stream.linear.gather [hbm4b:s21+s18], $0x3E8, $0x38;
	[tilespmem:$0xFA00] =	vst v63  }
0x50: {  	s21 =	sadd.s32 $0x2BDE78, s19  }
0x51: {  	[tilespmem:s31], [sflag:$0x1] =	stream.linear.gather [hbm4b:s21+s18], $0x3E8, $0x38;
	[tilespmem:$0xFA00] =	vst v63  }
0x52: {  	s21 =	sadd.s32 $0x2DC6C0, s19  }
0x53: {  	[tilespmem:s0], [sflag:$0x1] =	stream.linear.gather [hbm4b:s21+s18], $0x3E8, $0x38;
	[tilespmem:$0xFA00] =	vst v63  }
0x54: {  	s21 =	sadd.s32 $0x2FAF08, s19  }
0x55: {  	[tilespmem:s2], [sflag:$0x1] =	stream.linear.gather [hbm4b:s21+s18], $0x3E8, $0x38;
	[tilespmem:$0xFA00] =	vst v63  }
0x56: {  	s21 =	sadd.s32 $0x319750, s19  }
0x57: {  	[tilespmem:s7], [sflag:$0x1] =	stream.linear.gather [hbm4b:s21+s18], $0x3E8, $0x38;
	[tilespmem:$0xFA00] =	vst v63  }
0x58: {  	s21 =	sadd.s32 $0x337F98, s19  }
0x59: {  	[tilespmem:s8], [sflag:$0x1] =	stream.linear.gather [hbm4b:s21+s18], $0x3E8, $0x38;
	[tilespmem:$0xFA00] =	vst v63  }
0x5a: {  	s21 =	sadd.s32 $0x3567E0, s19  }
0x5b: {  	[tilespmem:s9], [sflag:$0x1] =	stream.linear.gather [hbm4b:s21+s18], $0x3E8, $0x38;
	[tilespmem:$0xFA00] =	vst v63  }
0x5c: {  	s21 =	sadd.s32 $0x375028, s19  }
0x5d: {  	[tilespmem:s10], [sflag:$0x1] =	stream.linear.gather [hbm4b:s21+s18], $0x3E8, $0x38;
	[tilespmem:$0xFA00] =	vst v63  }
0x5e: {  	s21 =	sadd.s32 $0x393870, s19  }
0x5f: {  	[tilespmem:s11], [sflag:$0x1] =	stream.linear.gather [hbm4b:s21+s18], $0x3E8, $0x38;
	[tilespmem:$0xFA00] =	vst v63  }
0x60: {  	s19 =	sadd.s32 $0x3B20B8, s19  }
0x61: {  	[tilespmem:s12], [sflag:$0x1] =	stream.linear.gather [hbm4b:s19+s18], $0x3E8, $0x38;
	[tilespmem:$0xFA00] =	vst v63  }
0x62: {  	_ =	swait.ge [sflag:s13], $0x3E8  }
0x63: {  	[sflag:s13] =	ssyncset.done $0x0  }
0x64: {  	[sflag:s13] =	ssyncadd.s32 $0xFFFFFC18  }
0x65: {  	_ =	swait.ge [sflag:s13], $0x3E8  }
0x66: {  	[sflag:s13] =	ssyncset.done $0x0  }
0x67: {  	[sflag:s13] =	ssyncadd.s32 $0xFFFFFC18  }
0x68: {  	_ =	swait.ge [sflag:s13], $0x3E8  }
0x69: {  	[sflag:s13] =	ssyncset.done $0x0  }
0x6a: {  	[sflag:s13] =	ssyncadd.s32 $0xFFFFFC18  }
0x6b: {  	_ =	swait.ge [sflag:s13], $0x3E8  }
0x6c: {  	[sflag:s13] =	ssyncset.done $0x0  }
0x6d: {  	[sflag:s13] =	ssyncadd.s32 $0xFFFFFC18  }
0x6e: {  	_ =	swait.ge [sflag:s13], $0x3E8  }
0x6f: {  	[sflag:s13] =	ssyncset.done $0x0  }
0x70: {  	[sflag:s13] =	ssyncadd.s32 $0xFFFFFC18  }
0x71: {  	_ =	swait.ge [sflag:s13], $0x3E8  }
0x72: {  	[sflag:s13] =	ssyncset.done $0x0  }
0x73: {  	[sflag:s13] =	ssyncadd.s32 $0xFFFFFC18  }
0x74: {  	_ =	swait.ge [sflag:s13], $0x3E8  }
0x75: {  	[sflag:s13] =	ssyncset.done $0x0  }
0x76: {  	[sflag:s13] =	ssyncadd.s32 $0xFFFFFC18  }
0x77: {  	_ =	swait.ge [sflag:s13], $0x3E8  }
0x78: {  	[sflag:s13] =	ssyncset.done $0x0  }
0x79: {  	[sflag:s13] =	ssyncadd.s32 $0xFFFFFC18  }
0x7a: {  	_ =	swait.ge [sflag:s13], $0x3E8  }
0x7b: {  	[sflag:s13] =	ssyncset.done $0x0  }
0x7c: {  	[sflag:s13] =	ssyncadd.s32 $0xFFFFFC18  }
0x7d: {  	_ =	swait.ge [sflag:s13], $0x3E8  }
0x7e: {  	[sflag:s13] =	ssyncset.done $0x0  }
0x7f: {  	[sflag:s13] =	ssyncadd.s32 $0xFFFFFC18  }
0x80: {  	_ =	swait.ge [sflag:s13], $0x3E8  }
0x81: {  	[sflag:s13] =	ssyncset.done $0x0  }
0x82: {  	[sflag:s13] =	ssyncadd.s32 $0xFFFFFC18  }
0x83: {  	_ =	swait.ge [sflag:s13], $0x3E8  }
0x84: {  	[sflag:s13] =	ssyncset.done $0x0  }
0x85: {  	[sflag:s13] =	ssyncadd.s32 $0xFFFFFC18  }
0x86: {  	_ =	swait.ge [sflag:s13], $0x3E8  }
0x87: {  	[sflag:s13] =	ssyncset.done $0x0  }
0x88: {  	[sflag:s13] =	ssyncadd.s32 $0xFFFFFC18  }
0x89: {  	_ =	swait.ge [sflag:s13], $0x3E8  }
0x8a: {  	[sflag:s13] =	ssyncset.done $0x0  }
0x8b: {  	[sflag:s13] =	ssyncadd.s32 $0xFFFFFC18  }
0x8c: {  	_ =	swait.ge [sflag:s13], $0x3E8  }
0x8d: {  	[sflag:s13] =	ssyncset.done $0x0  }
0x8e: {  	[sflag:s13] =	ssyncadd.s32 $0xFFFFFC18  }
0x8f: {  	_ =	swait.ge [sflag:s13], $0x3E8  }
0x90: {  	[sflag:s13] =	ssyncset.done $0x0  }
0x91: {  	[sflag:s13] =	ssyncadd.s32 $0xFFFFFC18  }
0x92: {  	_ =	swait.ge [sflag:s13], $0x3E8  }
0x93: {  	[sflag:s13] =	ssyncset.done $0x0  }
0x94: {  	[sflag:s13] =	ssyncadd.s32 $0xFFFFFC18  }
0x95: {  	_ =	swait.ge [sflag:s13], $0x3E8  }
0x96: {  	[sflag:s13] =	ssyncset.done $0x0  }
0x97: {  	[sflag:s13] =	ssyncadd.s32 $0xFFFFFC18  }
0x98: {  	_ =	swait.ge [sflag:s13], $0x3E8  }
0x99: {  	[sflag:s13] =	ssyncset.done $0x0  }
0x9a: {  	[sflag:s13] =	ssyncadd.s32 $0xFFFFFC18  }
0x9b: {  	_ =	swait.ge [sflag:s13], $0x3E8  }
0x9c: {  	[sflag:s13] =	ssyncset.done $0x0  }
0x9d: {  	[sflag:s13] =	ssyncadd.s32 $0xFFFFFC18  }
0x9e: {  	_ =	swait.ge [sflag:s13], $0x3E8  }
0x9f: {  	[sflag:s13] =	ssyncset.done $0x0  }
0xa0: {  	[sflag:s13] =	ssyncadd.s32 $0xFFFFFC18  }
0xa1: {  	_ =	swait.ge [sflag:s13], $0x3E8  }
0xa2: {  	[sflag:s13] =	ssyncset.done $0x0  }
0xa3: {  	[sflag:s13] =	ssyncadd.s32 $0xFFFFFC18  }
0xa4: {  	_ =	swait.ge [sflag:s13], $0x3E8  }
0xa5: {  	[sflag:s13] =	ssyncset.done $0x0  }
0xa6: {  	[sflag:s13] =	ssyncadd.s32 $0xFFFFFC18  }
0xa7: {  	_ =	swait.ge [sflag:s13], $0x3E8  }
0xa8: {  	[sflag:s13] =	ssyncset.done $0x0  }
0xa9: {  	[sflag:s13] =	ssyncadd.s32 $0xFFFFFC18  }
0xaa: {  	_ =	swait.ge [sflag:s13], $0x3E8  }
0xab: {  	[sflag:s13] =	ssyncset.done $0x0  }
0xac: {  	[sflag:s13] =	ssyncadd.s32 $0xFFFFFC18  }
0xad: {  	_ =	swait.ge [sflag:s13], $0x3E8  }
0xae: {  	[sflag:s13] =	ssyncset.done $0x0  }
0xaf: {  	[sflag:s13] =	ssyncadd.s32 $0xFFFFFC18  }
0xb0: {  	_ =	swait.ge [sflag:s13], $0x3E8  }
0xb1: {  	[sflag:s13] =	ssyncset.done $0x0  }
0xb2: {  	[sflag:s13] =	ssyncadd.s32 $0xFFFFFC18  }
0xb3: {  	_ =	swait.ge [sflag:s13], $0x3E8  }
0xb4: {  	[sflag:s13] =	ssyncset.done $0x0  }
0xb5: {  	[sflag:s13] =	ssyncadd.s32 $0xFFFFFC18  }
0xb6: {  	_ =	swait.ge [sflag:s13], $0x3E8  }
0xb7: {  	[sflag:s13] =	ssyncset.done $0x0  }
0xb8: {  	[sflag:s13] =	ssyncadd.s32 $0xFFFFFC18  }
0xb9: {  	_ =	swait.ge [sflag:s13], $0x3E8  }
0xba: {  	[sflag:s13] =	ssyncset.done $0x0  }
0xbb: {  	[sflag:s13] =	ssyncadd.s32 $0xFFFFFC18  }
0xbc: {  	_ =	swait.ge [sflag:s13], $0x3E8  }
0xbd: {  	v2 =	vadd.s32 s18, v0;
	[sflag:s13] =	ssyncset.done $0x0  }
0xbe: {  	[sflag:s13] =	ssyncadd.s32 $0xFFFFFC18  }
0xbf: {  	v3 =	vadd.s32 s18, v1;
	_ =	swait.ge [sflag:s13], $0x3E8  }
0xc0: {  	[sflag:s13] =	ssyncset.done $0x0  }
0xc1: {  	[sflag:s13] =	ssyncadd.s32 $0xFFFFFC18  }
0xc2: {  	v5 =	vld.idx.msk [tilespmem:v2+s1+$0x0], $0xffff;
	_ =	sdelay $0x1  }
0xc3: {  	s21 =	simm.s32 $0x1;
	v4 =	vld.idx.msk [tilespmem:v3+s1+$0x0], $0xffff  }
0xc4: {  	v2 =	vadd.s32 s21, v0  }
0xc5: {  	s18 =	simm.s32 $0x7D10;
	v3 =	vadd.s32 s21, v1  }
0xc6: {  	s19 =	simm.s32 $0x2;
	[tilespmem:s18+$0xFFFFFFF0] =	vst v5  }
.LBB2_4:
0xc7: {  	p0 =	sne.s32 s19, $0x3E7  }
0xc8: {  	[tilespmem:s18+$0x0] =	vst v4;
	s18 =	sadd.s32 $0x20, s18;
	s20 =	smov.u32 s19;
	s19 =	sadd.s32 $0x1, s19  }
0xc9: {  	v5 =	vld.idx.msk [tilespmem:v2+s1+$0x0], $0xffff  }
0xca: {  	v4 =	vld.idx.msk [tilespmem:v3+s1+$0x0], $0xffff  }
.Ltmp5:
0xcb: {  	(pc) =	sbr.rel @p0 .LBB2_4-.Ltmp5, $3  }
0xcc: {  	v2 =	vadd.s32 s20, v0  }
0xcd: {  	v3 =	vadd.s32 s20, v1;
	_ =	sdelay $0x1  }
0xce: {  	[tilespmem:s18+$0xFFFFFFF0] =	vst v5  }
0xcf: {  	_ =	sdelay $0x2  }
0xd0: {  	[tilespmem:s18+$0x0] =	vst v4  }
0xd1: {  	v2 =	vld.idx.msk [tilespmem:v2+s1+$0x0], $0xffff  }
0xd2: {  	v3 =	vld.idx.msk [tilespmem:v3+s1+$0x0], $0xffff;
	_ =	sdelay $0x2  }
0xd3: {  	s21 =	sadd.s32 $0x20, s18;
	s17 =	smul.u32 $0xFA0, s17  }
0xd4: {  	[tilespmem:s21+$0xFFFFFFF0] =	vst v2  }
.Ltmp6:
0xd5: {  	s17 =	sadd.s32 s5, s17;
	[tilespmem:s21+$0x0] =	vst v3;
	(pc) =	sbr.rel .LBB2_6-.Ltmp6, $4  }
0xd6: {  	[hbm4b:s17+s1] =	stream.linear.scatter [tilespmem:s14], [sflag:$0x2], $0x7D00, $0x38;
	[tilespmem:$0xFA00] =	vst v63  }
0xd7: {  	_ =	swait.ge [sflag:s15], $0x7D00  }
0xd8: {  	[sflag:s15] =	ssyncset.done $0x0  }
0xd9: {  	[sflag:s15] =	ssyncadd.s32 $0xFFFF8300  }
.LBB2_8:
0xda: {  	_ =	sfence.sel $0x180000  }
0xdb: {  	[bflag:$0x0] =	sbarrier.arrive $0xFFFF  }
0xdc: {  	_ =	strace $0x90000047  }
0xdd: {  	s0 =	stileid.u32;
	[bflag:$0x2] =	sbarrier.arrive $0xFFFF  }
0xde: {  	p0 =	sne.s32 s0, $0x0;
	s0 =	rddreg [dreg:$0x1]  }
0xdf: {  	s0 =	sadd.s32 @!p0 $0x100000, s0  }
0xe0: {  	[sflag:s0] =	ssyncadd.tile.s32 @!p0 $0x1;
	_ =	shalt  }
.Lfunc_end2:
_tile_overlayer_lowered:
.L_overlay_start_2:
0xe1: {  	(tag) =	ssettag $0x2  }
0xe2: {  	s0 =	rddreg [dreg:$0x0];
	s2 =	stileid.u32  }
0xe3: {  	s1 =	rddreg [dreg:$0x1];
	p0 =	sne.s32 s2, $0x0  }
0xe4: {  	s3 =	rddreg [dreg:$0x2];
	[bflag:$0x3] =	sbarrier.arrive $0xFFFF;
	s2 =	simm.s32 @!p0 $0x1C02  }
0xe5: {  	[timem:s3], [sflag:s2] =	dma.local @!p0 [hbm:s0], s1  }
0xe6: {  	s0 =	simm.s32 @!p0 $0x2  }
0xe7: {  	_ =	swait.ge @!p0 [sflag:s0], s1  }
0xe8: {  	s1 =	ssub.s32 @!p0 $0x0, s1;
	[sflag:s0] =	ssyncset.done @!p0 $0x0  }
0xe9: {  	[sflag:s0] =	ssyncadd.s32 @!p0 s1  }
0xea: {  	[bflag:$0x3] =	sbarrier.arrive $0xFFFF  }
0xeb: {  	_ =	shalt  }

// kernel: kernel.8.cloned.1.call-start
scs
__scs_entry_jumppad:
0x0: {  	(pc) =	sbr.rel $0x88, $3  }
0x1: {  	(tag) =	ssettag $0x0;
	lr =	simm.s32 $0x1  }
0x2: {  	[smem:$0x3F9D] =	sst lr;
	_ =	strace $0xD0000000  }
0x3: {  	_ = 	snop  }
0x4: {  	_ = 	snop  }
0x5: {  	_ = 	snop  }
0x6: {  	_ = 	snop  }
0x7: {  	_ = 	snop  }
__scs_overlays_trampoline_lowered:
0x8: {  	[smem:$0x3FAC] =	sst s0  }
0x9: {  	[smem:$0x3FAD] =	sst s1  }
0xa: {  	[smem:$0x3FAE] =	sst s2  }
0xb: {  	[smem:$0x3FAF] =	sst s3  }
0xc: {  	[smem:$0x3FB0] =	sst s4  }
0xd: {  	[smem:$0x3FB1] =	sst s5  }
0xe: {  	[smem:$0x3FB2] =	sst s6  }
0xf: {  	[smem:$0x3FB3] =	sst s7  }
0x10: {  	[smem:$0x3FB4] =	sst s8  }
0x11: {  	[smem:$0x3FB5] =	sst s9;
	s0 =	simm.s32 @!p0 $0x0  }
0x12: {  	s1 =	sld [smem:$0x3F9B];
	s0 =	simm.s32 @p0 $0x1  }
0x13: {  	[smem:$0x3FB6] =	sst s0;
	s0 =	simm.s32 @!p1 $0x0  }
0x14: {  	s2 =	sld [smem:$0x3F9A];
	s0 =	simm.s32 @p1 $0x1  }
0x15: {  	[smem:$0x3FB7] =	sst s0;
	s0 =	simm.s32 @!p2 $0x0  }
0x16: {  	s3 =	sld [smem:$0x3FDB];
	s0 =	simm.s32 @p2 $0x1  }
0x17: {  	s4 =	simm.s32 $0x1BF5;
	[smem:$0x3FB9] =	sst s0  }
0x18: {  	s0 =	sld [smem:$0x3F9C];
	_ =	swait.ge [sflag:s4], $0x0  }
0x19: {  	s7 =	sld [smem:$0x3F9D]  }
0x1a: {  	s8 =	sadd.s32 $0xFFFFE003, lr  }
0x1b: {  	s9 =	sadd.s32 $0xFFFFFEF7, lr;
	s5 =	simm.s32 $0xFFFFFFFF;
	p2 =	slt.u32 s8, $0xFFFFF086  }
0x1c: {  	p1 =	slt.u32 s9, $0xF7A;
	s5 =	simm.s32 @!p2 $0x0  }
0x1d: {  	s5 =	simm.s32 @p1 $0x1;
	p0 =	seq.s32 s7, s2  }
0x1e: {  	s7 =	smul.u32 @!p0 $0xF7A, s2;
	p2 =	seq.s32 @!p0 s5, $0x0  }
0x1f: {  	s9 =	smul.u32 $0xF7A, s1;
	s8 =	simm.s32 @!p0 $0x1BF5;
	p2 =	por !p2, p0  }
0x20: {  	[sflag:s8] =	ssyncset.s32 @!p0 $0xFFFFF086;
	s6 =	sadd.s32 @!p0 s3, s7;
	s7 =	simm.s32 @!p0 $0x108  }
0x21: {  	s3 =	sadd.s32 s3, s9;
	s6 =	sadd.s32 @!p0 $0x88, s6;
	s7 =	simm.s32 @p2 $0x1082  }
0x22: {  	[simem:s7], [sflag:s8] =	dma.local @!p0 [hbm:s6], $0xF7A  }
0x23: {  	s9 =	sor.u32 $0xD0000000, s2;
	s6 =	simm.s32 $0x108;
	_ =	swait.ge @!p0 [sflag:s8], $0x0  }
0x24: {  	s3 =	sadd.s32 $0x88, s3;
	s6 =	simm.s32 @!p1 $0x1082;
	[sflag:s4] =	ssyncset.s32 $0xFFFFF086  }
0x25: {  	[simem:s6], [sflag:s4] =	dma.local [hbm:s3], $0xF7A  }
0x26: {  	[smem:$0x3F9D] =	sst s1;
	(tag) =	ssettag s2;
	_ =	strace s9  }
0x27: {  	s1 =	sld [smem:$0x3FAD]  }
0x28: {  	s2 =	sld [smem:$0x3FAE]  }
0x29: {  	s4 =	sld [smem:$0x3FB0]  }
0x2a: {  	p0 =	seq.s32 s5, $0x0;
	s5 =	sld [smem:$0x3FB1]  }
0x2b: {  	s6 =	sld [smem:$0x3FB2]  }
0x2c: {  	s7 =	sld [smem:$0x3FB3]  }
0x2d: {  	s3 =	simm.s32 $0x108;
	s8 =	sld [smem:$0x3FB4]  }
0x2e: {  	s3 =	simm.s32 @!p0 $0x1082;
	s9 =	sld [smem:$0x3FB5]  }
0x2f: {  	lr =	sadd.s32 s0, s3;
	s0 =	sld [smem:$0x3FAC]  }
0x30: {  	s3 =	sld [smem:$0x3FAF]  }
0x31: {  	[smem:$0x3FB8] =	sst s10  }
0x32: {  	s10 =	sld [smem:$0x3FB6];
	_ =	sdelay $0x3  }
0x33: {  	p0 =	seq.s32 s10, $0x1;
	s10 =	sld [smem:$0x3FB8];
	_ =	sdelay $0x3  }
0x34: {  	[smem:$0x3FB8] =	sst s10  }
0x35: {  	s10 =	sld [smem:$0x3FB7];
	_ =	sdelay $0x3  }
0x36: {  	p1 =	seq.s32 s10, $0x1;
	s10 =	sld [smem:$0x3FB8];
	_ =	sdelay $0x3  }
0x37: {  	[smem:$0x3FB8] =	sst s10  }
0x38: {  	s10 =	sld [smem:$0x3FB9]  }
0x39: {  	_ = 	snop;
	(pc) =	sbr.ind lr, $3  }
0x3a: {  	_ = 	snop  }
0x3b: {  	_ = 	snop  }
0x3c: {  	p2 =	seq.s32 s10, $0x1;
	s10 =	sld [smem:$0x3FB8]  }
0x3d: {  	_ =	shalt  }
0x3e: {  	_ =	shalt  }
0x3f: {  	_ =	shalt  }
0x40: {  	_ =	shalt  }
0x41: {  	_ =	shalt  }
0x42: {  	_ =	shalt  }
0x43: {  	_ =	shalt  }
0x44: {  	_ =	shalt  }
0x45: {  	_ =	shalt  }
0x46: {  	_ =	shalt  }
0x47: {  	_ =	shalt  }
0x48: {  	_ =	shalt  }
0x49: {  	_ =	shalt  }
0x4a: {  	_ =	shalt  }
0x4b: {  	_ =	shalt  }
0x4c: {  	_ =	shalt  }
0x4d: {  	_ =	shalt  }
0x4e: {  	_ =	shalt  }
0x4f: {  	_ =	shalt  }
0x50: {  	_ =	shalt  }
0x51: {  	_ =	shalt  }
0x52: {  	_ =	shalt  }
0x53: {  	_ =	shalt  }
0x54: {  	_ =	shalt  }
0x55: {  	_ =	shalt  }
0x56: {  	_ =	shalt  }
0x57: {  	_ =	shalt  }
0x58: {  	_ =	shalt  }
0x59: {  	_ =	shalt  }
0x5a: {  	_ =	shalt  }
0x5b: {  	_ =	shalt  }
0x5c: {  	_ =	shalt  }
0x5d: {  	_ =	shalt  }
0x5e: {  	_ =	shalt  }
0x5f: {  	_ =	shalt  }
0x60: {  	_ =	shalt  }
0x61: {  	_ =	shalt  }
0x62: {  	_ =	shalt  }
0x63: {  	_ =	shalt  }
0x64: {  	_ =	shalt  }
0x65: {  	_ =	shalt  }
0x66: {  	_ =	shalt  }
0x67: {  	_ =	shalt  }
0x68: {  	_ =	shalt  }
0x69: {  	_ =	shalt  }
0x6a: {  	_ =	shalt  }
0x6b: {  	_ =	shalt  }
0x6c: {  	_ =	shalt  }
0x6d: {  	_ =	shalt  }
0x6e: {  	_ =	shalt  }
0x6f: {  	_ =	shalt  }
0x70: {  	_ =	shalt  }
0x71: {  	_ =	shalt  }
0x72: {  	_ =	shalt  }
0x73: {  	_ =	shalt  }
0x74: {  	_ =	shalt  }
0x75: {  	_ =	shalt  }
0x76: {  	_ =	shalt  }
0x77: {  	_ =	shalt  }
0x78: {  	_ =	shalt  }
0x79: {  	_ =	shalt  }
0x7a: {  	_ =	shalt  }
0x7b: {  	_ =	shalt  }
0x7c: {  	_ =	shalt  }
0x7d: {  	_ =	shalt  }
0x7e: {  	_ =	shalt  }
0x7f: {  	_ =	shalt  }
0x80: {  	_ =	shalt  }
0x81: {  	_ =	shalt  }
0x82: {  	_ =	shalt  }
0x83: {  	_ =	shalt  }
0x84: {  	_ =	shalt  }
0x85: {  	_ =	shalt  }
0x86: {  	_ =	shalt  }
0x87: {  	_ =	shalt  }
.Lfunc_end0:
.L_simem_size_0:
called_computation.1_lowered:
.L_overlay_start_0:
0x88: {  	s2 =	sld [smem:$0x3FD9]  }
0x89: {  	s3 =	sld [smem:$0x3FFE];
	_ =	sdelay $0x1  }
0x8a: {  	s1 =	srdreg.scid  }
0x8b: {  	s0 =	sand.u32 $0x1, s1  }
0x8c: {  	s16 =	sshll.u32 s0, $0xA;
	s2 =	sadd.s32 s3, s2  }
0x8d: {  	s2 =	sadd.s32 s2, s16  }
0x8e: {  	[smem:$0x3FC4] =	sst s2  }
0x8f: {  	_ = 	snop  }
0x90: {  	(tm) =	ssettm $0x1  }
0x91: {  	s17 =	sld [smem:$0x3FFB];
	_ =	sdelay $0x3  }
0x92: {  	_ =	strace s17  }
0x93: {  	s2 =	sld [smem:$0x3FFC];
	_ =	sdelay $0x3  }
0x94: {  	_ =	strace s2  }
0x95: {  	s2 =	sld [smem:$0x3FFD];
	_ =	sdelay $0x3  }
0x96: {  	_ =	strace s2  }
0x97: {  	_ =	strace $0x8FFFFFFF  }
0x98: {  	s18 =	sld [smem:$0x3FDB];
	_ =	sdelay $0x1  }
0x99: {  	s19 =	simm.s32 $_scs_section_size  }
0x9a: {  	s4 =	simm.s32 $_size__tile_overlayer_lowered;
	s5 =	simm.s32 $_tile_overlayer_lowered  }
0x9b: {  	s22 =	simm.s32 $0x1BFF;
	s21 =	sshll.u32 s5, $0x1;
	s2 =	sadd.s32 s19, s18  }
0x9c: {  	s6 =	simm.s32 $0x0;
	s20 =	sshll.u32 s4, $0x1;
	s4 =	sadd.s32 s21, s2  }
0x9d: {  	[timem:s6], [sflag:s22] =	dma.local [hbm:s4], s20  }
0x9e: {  	_ =	swait.ge [sflag:s22], s20  }
0x9f: {  	s3 =	ssub.s32 $0x0, s20;
	[sflag:s22] =	ssyncset.done $0x0  }
0xa0: {  	[sflag:s22] =	ssyncadd.s32 s3;
	_ =	sdelay $0x1  }
0xa1: {  	s23 =	simm.s32 $0x1B8B  }
0xa2: {  	_ =	swait.ge [sflag:s23], $0x1  }
0xa3: {  	[sflag:s23] =	ssyncset.done $0x0  }
0xa4: {  	s25 =	simm.s32 $0x1B8E;
	s24 =	sld [smem:$0x3FFE];
	[sflag:s23] =	ssyncadd.s32 $0xFFFFFFFF  }
0xa5: {  	s26 =	simm.s32 $execute0_lowered;
	[smem:$0x3FD2] =	sst s25  }
0xa6: {  	s4 =	sshll.u32 s26, $0x1;
	_ =	strace $0x80000049;
	[dreg:$0x1] =	wrdreg $0xFFFFFFFF  }
0xa7: {  	s28 =	simm.s32 $_size_execute0_lowered;
	s2 =	sadd.s32 s2, s4;
	[dreg:$0x0] =	wrdreg $0x0  }
0xa8: {  	s4 =	sshll.u32 s28, $0x1;
	[dreg:$0x2] =	wrdreg s2  }
0xa9: {  	[dreg:$0x3] =	wrdreg s4  }
0xaa: {  	[dreg:$0x4] =	wrdreg $0xC0  }
0xab: {  	_ =	task [dreg:s6], $0x5FFFF  }
0xac: {  	[dreg:$0x1] =	wrdreg $0xFFFFFFFF  }
0xad: {  	[dreg:$0x0] =	wrdreg $0x60  }
0xae: {  	[dreg:$0x2] =	wrdreg s24  }
0xaf: {  	[dreg:$0x3] =	wrdreg $0x9  }
0xb0: {  	_ =	task.clear_ibuf [dreg:s6], $0x4FFFF;
	_ =	strace $0x90000049  }
0xb1: {  	s29 =	simm.s32 $0x9;
	_ =	strace $0x8000004B  }
0xb2: {  	_ =	swait.ge [sflag:s29], $0x1  }
0xb3: {  	[sflag:s29] =	ssyncadd.s32 $0xFFFFFFFF  }
0xb4: {  	_ =	strace $0x9000004B  }
0xb5: {  	_ =	sfence  }
0xb6: {  	s30 =	sld [smem:$0x0];
	_ =	sdelay $0x2  }
0xb7: {  	s31 =	sshll.u32 s1, $0xD;
	s1 =	sshrl.u32 s1, $0x2  }
0xb8: {  	s3 =	sand.u32 $0x4000, s31;
	s1 =	sadd.s32 s1, s30  }
0xb9: {  	s0 =	sor.u32 s3, s0;
	s1 =	sshll.u32 s1, $0x11  }
0xba: {  	s0 =	sor.u32 s1, s0  }
0xbb: {  	s0 =	sadd.s32 $0x8F2B, s0  }
0xbc: {  	[sflag:s0] =	ssyncadd.remote.s32 $0x1  }
0xbd: {  	_ =	sfence.sel $0xFFFF  }
0xbe: {  	[dreg:$0x0] =	wrdreg $0xFFFFFFFF;
	(pc) =	sbr.abs _section_cstart, $3  }
0xbf: {  	[dreg:$0x1] =	wrdreg $0xFFFFFFFF  }
0xc0: {  	_ =	task.clear_ibuf [dreg:s6], $0x2FFFF;
	_ =	strace $0x9FFFFFFF  }
0xc1: {  	(tm) =	ssettm $0x7FFFFFFF  }
tec
execute0_lowered:
.L_overlay_start_1:
0x0: {  	(tag) =	ssettag $0x1  }
0x1: {  	s3 =	rddreg [dreg:$0x0]  }
0x2: {  	s0 =	rddreg [dreg:$0x1];
	s1 =	stileid.u32  }
0x3: {  	s4 =	srdreg.scid;
	s5 =	smul.u32 $0xC800, s1  }
0x4: {  	s2 =	simm.s32 $0x0;
	s4 =	sand.u32 $0x1, s4;
	s29 =	smul.u32 $0x32000, s1  }
0x5: {  	[smem:$0x7FF] =	sst s2;
	s6 =	smul.u32 $0x6400, s4  }
0x6: {  	_ =	strace $0x8000004A;
	s7 =	ssub.s32 $0x2, s4;
	s9 =	smul.u32 $0x19000, s4  }
0x7: {  	s8 =	sshrl.u32 s7, $0x1;
	s30 =	sadd.s32 s29, s3;
	s5 =	sadd.s32 s6, s5  }
0x8: {  	s31 =	ssub.s32 s7, s8;
	s7 =	simm.s32 $0x2;
	s5 =	sshrl.u32 s5, $0x3  }
0x9: {  	s8 =	simm.s32 $0xC80;
	s4 =	smax.u32 s31, $0x1;
	s10 =	sadd.s32 s5, s3  }
0xa: {  	s3 =	sadd.s32 $0x3D1600, s3;
	s5 =	sadd.s32 s9, s30;
	s9 =	simm.s32 $0x1  }
0xb: {  	s5 =	sadd.s32 $0xC00, s5;
	s6 =	sadd.s32 $0x7A2000, s10;
	s10 =	simm.s32 $0x0  }
.LBB2_1:
0xc: {  	s11 =	sadd.s32 $0x0, s6  }
0xd: {  	[tilespmem:s2], [sflag:$0x2] =	stream.linear.gather [hbm4b:s11+s2], $0xC80, $0x38;
	[tilespmem:$0x19C80] =	vst v63  }
0xe: {  	_ =	swait.ge [sflag:s7], $0xC80  }
0xf: {  	[sflag:s7] =	ssyncset.done $0x0  }
0x10: {  	[sflag:s7] =	ssyncadd.s32 $0xFFFFF380  }
0x11: {  	[tilespmem:s8], [sflag:$0x1] =	stream.indirect.gather [hbm4b:s3+s8], $0x20, s2, s8, $0xb8;
	[tilespmem:$0x19C80] =	vst v63  }
0x12: {  	_ =	swait.ge [sflag:s9], $0x19000  }
0x13: {  	[sflag:s9] =	ssyncset.done $0x0  }
0x14: {  	[sflag:s9] =	ssyncadd.s32 $0xFFFE7000  }
0x15: {  	[hbm4b:s5+s2] =	stream.linear.scatter [tilespmem:s8], [sflag:$0x2], $0x19000, $0x38;
	[tilespmem:$0x19C80] =	vst v63  }
0x16: {  	s12 =	simm.s32 $0x190;
	_ =	swait.ge [sflag:s7], $0x19000  }
0x17: {  	s13 =	simm.s32 $0x320;
	s11 =	sadd.s32 $0x3200, s5;
	[sflag:s7] =	ssyncset.done $0x0  }
.LBB2_2:
0x18: {  	s14 =	sadd.s32 s12, s6  }
0x19: {  	[sflag:s7] =	ssyncadd.s32 $0xFFFE7000;
	s12 =	smov.u32 s13;
	s15 =	sadd.s32 $0x190, s13  }
0x1a: {  	[tilespmem:s2], [sflag:$0x2] =	stream.linear.gather [hbm4b:s14+s2], $0xC80, $0x38;
	[tilespmem:$0x19C80] =	vst v63  }
0x1b: {  	p0 =	sne.s32 s13, $0xAF0;
	_ =	swait.ge [sflag:s7], $0xC80  }
0x1c: {  	[sflag:s7] =	ssyncset.done $0x0  }
0x1d: {  	[sflag:s7] =	ssyncadd.s32 $0xFFFFF380  }
0x1e: {  	[tilespmem:s8], [sflag:$0x1] =	stream.indirect.gather [hbm4b:s3+s8], $0x20, s2, s8, $0xb8;
	[tilespmem:$0x19C80] =	vst v63  }
0x1f: {  	_ =	swait.ge [sflag:s9], $0x19000  }
.Ltmp0:
0x20: {  	[sflag:s9] =	ssyncset.done $0x0;
	(pc) =	sbr.rel @p0 .LBB2_2-.Ltmp0, $4  }
0x21: {  	[sflag:s9] =	ssyncadd.s32 $0xFFFE7000  }
0x22: {  	[hbm4b:s11+s2] =	stream.linear.scatter [tilespmem:s8], [sflag:$0x2], $0x19000, $0x38;
	[tilespmem:$0x19C80] =	vst v63  }
0x23: {  	_ =	swait.ge [sflag:s7], $0x19000  }
0x24: {  	s13 =	smov.u32 s15;
	s11 =	sadd.s32 $0x3200, s11;
	[sflag:s7] =	ssyncset.done $0x0  }
0x25: {  	s12 =	sadd.s32 s12, s6;
	[sflag:s7] =	ssyncadd.s32 $0xFFFE7000  }
0x26: {  	[tilespmem:s2], [sflag:$0x2] =	stream.linear.gather [hbm4b:s12+s2], $0xC80, $0x38;
	[tilespmem:$0x19C80] =	vst v63  }
0x27: {  	_ =	swait.ge [sflag:s7], $0xC80  }
0x28: {  	[sflag:s7] =	ssyncset.done $0x0  }
0x29: {  	[sflag:s7] =	ssyncadd.s32 $0xFFFFF380  }
0x2a: {  	[tilespmem:s8], [sflag:$0x1] =	stream.indirect.gather [hbm4b:s3+s8], $0x20, s2, s8, $0xb8;
	[tilespmem:$0x19C80] =	vst v63  }
0x2b: {  	s10 =	sadd.s32 $0x1, s10;
	_ =	swait.ge [sflag:s9], $0x19000  }
0x2c: {  	p0 =	sne.s32 s10, s4;
	[sflag:s9] =	ssyncset.done $0x0  }
.Ltmp1:
0x2d: {  	[sflag:s9] =	ssyncadd.s32 $0xFFFE7000;
	(pc) =	sbr.rel @p0 .LBB2_1-.Ltmp1, $4  }
0x2e: {  	[hbm4b:s11+s2] =	stream.linear.scatter [tilespmem:s8], [sflag:$0x2], $0x19000, $0x38;
	[tilespmem:$0x19C80] =	vst v63  }
0x2f: {  	_ =	swait.ge [sflag:s7], $0x19000  }
0x30: {  	[sflag:s7] =	ssyncset.done $0x0  }
0x31: {  	[sflag:s7] =	ssyncadd.s32 $0xFFFE7000  }
0x32: {  	_ =	sfence.sel $0x180000  }
0x33: {  	[bflag:$0x0] =	sbarrier.arrive $0xFFFF  }
0x34: {  	p0 =	sne.s32 s1, $0x0;
	_ =	strace $0x9000004A  }
0x35: {  	s0 =	sadd.s32 @!p0 $0x100000, s0;
	[bflag:$0x2] =	sbarrier.arrive $0xFFFF  }
0x36: {  	[sflag:s0] =	ssyncadd.tile.s32 @!p0 $0x1;
	_ =	shalt  }
.Lfunc_end2:
_tile_overlayer_lowered:
.L_overlay_start_2:
0x37: {  	(tag) =	ssettag $0x2  }
0x38: {  	s0 =	rddreg [dreg:$0x0];
	s2 =	stileid.u32  }
0x39: {  	s1 =	rddreg [dreg:$0x1];
	p0 =	sne.s32 s2, $0x0  }
0x3a: {  	s3 =	rddreg [dreg:$0x2];
	[bflag:$0x3] =	sbarrier.arrive $0xFFFF;
	s2 =	simm.s32 @!p0 $0x1C02  }
0x3b: {  	[timem:s3], [sflag:s2] =	dma.local @!p0 [hbm:s0], s1  }
0x3c: {  	s0 =	simm.s32 @!p0 $0x2  }
0x3d: {  	_ =	swait.ge @!p0 [sflag:s0], s1  }
0x3e: {  	s1 =	ssub.s32 @!p0 $0x0, s1;
	[sflag:s0] =	ssyncset.done @!p0 $0x0  }
0x3f: {  	[sflag:s0] =	ssyncadd.s32 @!p0 s1  }
0x40: {  	[bflag:$0x3] =	sbarrier.arrive $0xFFFF  }
0x41: {  	_ =	shalt  }

</sc_bundles>
